<compile_context>
chip_gen: v7x
topology: tpu7x:2x2x1
jax: 0.10.2.dev20260603
libtpu: 0.0.44.dev20260713+nightly
codegen_flags: <defaults>
</compile_context>

<pallas_src>
import functools

import jax
import jax.numpy as jnp
from jax import lax
from jax.experimental import pallas as pl
from jax.experimental.pallas import tpu as pltpu
from jax.experimental.pallas import tpu_sc as plsc

D_MODEL = 64
NC = 2
NS = 16
NW = NC * NS
BB = 128
NDT = D_MODEL // 8


def _positional_encoding(seq_len, d_model):
    pos = jnp.arange(0, seq_len, dtype=jnp.float32)[:, None]
    dim = jnp.arange(0, d_model, dtype=jnp.float32)
    result = jnp.zeros((seq_len, d_model), dtype=jnp.float32)
    sin_part = jnp.sin(pos / (10000.0 ** (dim[0::2] / d_model)))
    cos_part = jnp.cos(pos / (10000.0 ** (dim[1::2] / d_model)))
    result = result.at[:, 0::2].set(sin_part)
    result = result.at[:, 1::2].set(cos_part)
    return result


@functools.partial(jax.jit, static_argnames=("seq_len", "n_batch"))
def _run(xt, pe, table, seq_len, n_batch):
    mesh = plsc.VectorSubcoreMesh(
        core_axis_name="c", subcore_axis_name="s", num_cores=NC,
        num_subcores=NS)
    nbt = n_batch // BB
    n_pairs = seq_len // 2

    @functools.partial(
        pl.kernel,
        out_type=jax.ShapeDtypeStruct((seq_len, NDT, nbt, 8, BB),
                                      jnp.float32),
        mesh=mesh,
        scratch_types=[
            pltpu.VMEM((seq_len, BB), jnp.int32),
            pltpu.VMEM((seq_len, D_MODEL), jnp.float32),
            pltpu.VMEM((BB, 2 * D_MODEL), jnp.float32),
            pltpu.VMEM((BB, 2 * D_MODEL), jnp.float32),
            pltpu.VMEM((NDT, 8, BB + 1), jnp.float32),
            pltpu.VMEM((NDT, 8, BB + 1), jnp.float32),
            pltpu.SemaphoreType.DMA,
            pltpu.SemaphoreType.DMA,
            pltpu.SemaphoreType.DMA,
            pltpu.SemaphoreType.DMA,
        ],
        compiler_params=pltpu.CompilerParams(
            use_tc_tiling_on_sc=False, needs_layout_passes=False),
    )
    def k(xt_hbm, pe_hbm, table_hbm, out_hbm, idx_v, pe_v, rb0, rb1, tb0,
          tb1, gsem0, gsem1, ssem0, ssem1):
        cid = lax.axis_index("c")
        sid = lax.axis_index("s")
        wid = sid * NC + cid
        rb = (rb0, rb1)
        tb = (tb0, tb1)
        gsem = (gsem0, gsem1)
        ssem = (ssem0, ssem1)

        pltpu.sync_copy(xt_hbm.at[:, pl.ds(wid * BB, BB)], idx_v)
        pltpu.sync_copy(pe_hbm, pe_v)

        lanes = lax.iota(jnp.int32, 16)
        dt_idx = [(lanes + 16 * j) >> 3 for j in range(4)]
        di_idx = [(lanes + 16 * j) & 7 for j in range(4)]

        def fire(s, p):
            pltpu.async_copy(table_hbm.at[idx_v.at[s]], rb[p], gsem[p])

        def drain_gather(p):
            pltpu.make_async_copy(table_hbm.at[idx_v.at[0]], rb[p],
                                  gsem[p]).wait()

        def transform(s, p):
            pe_j = [pe_v[s, pl.ds(16 * j, 16)] for j in range(4)]
            rbp, tbp = rb[p], tb[p]

            @plsc.parallel_loop(0, BB, unroll=8)
            def _(b):
                colv = (lanes & 0) + b
                for j in range(4):
                    v = rbp[b, pl.ds(16 * j, 16)] + pe_j[j]
                    plsc.store_scatter(tbp, [dt_idx[j], di_idx[j], colv], v)

        def store(s, p):
            pltpu.async_copy(tb[p].at[:, :, pl.ds(0, BB)],
                             out_hbm.at[s, :, wid], ssem[p])

        def drain_store(p):
            pltpu.make_async_copy(tb[p].at[:, :, pl.ds(0, BB)],
                                  out_hbm.at[0, :, wid], ssem[p]).wait()

        fire(0, 0)

        def pair_body(kk, _):
            s0 = 2 * kk
            s1 = s0 + 1
            fire(s1, 1)
            drain_gather(0)

            @pl.when(kk > 0)
            def _():
                drain_store(0)

            transform(s0, 0)
            store(s0, 0)

            @pl.when(kk < n_pairs - 1)
            def _():
                fire(s0 + 2, 0)

            drain_gather(1)

            @pl.when(kk > 0)
            def _():
                drain_store(1)

            transform(s1, 1)
            store(s1, 1)
            return ()

        lax.fori_loop(0, n_pairs, pair_body, ())
        drain_store(0)
        drain_store(1)

    return k(xt, pe, table)


def kernel(x, table):
    b, s = x.shape
    xt = jnp.transpose(x).astype(jnp.int32)
    pe = _positional_encoding(s, D_MODEL)
    table_p = jnp.pad(table, ((0, 0), (0, 2 * D_MODEL - table.shape[1])))
    out5 = _run(xt, pe, table_p, s, b)
    return out5.transpose((2, 4, 0, 1, 3)).reshape(b, s, D_MODEL)

# --- scband reference (transcript-rebuilt; emitter-appended) ---
"""Pipeline reference for scband-embedding-47845935677485 (READ-ONLY COPY).

The authoritative reference and input builder live on the scoring server;
editing this copy changes nothing except your own understanding.
"""

import jax, jax.numpy as jnp
import numpy as np

D_MODEL = 64


def positional_encoding(seq_len, d_model):
    pos = jnp.arange(0, seq_len, dtype=jnp.float32)[:, None]
    dim = jnp.arange(0, d_model, dtype=jnp.float32)
    result = jnp.zeros((seq_len, d_model), dtype=jnp.float32)
    sin_part = jnp.sin(pos / (10000.0 ** (dim[0::2] / d_model)))
    cos_part = jnp.cos(pos / (10000.0 ** (dim[1::2] / d_model)))
    result = result.at[:, 0::2].set(sin_part)
    result = result.at[:, 1::2].set(cos_part)
    return result


def setup_inputs(seed: int = 0) -> dict:
    key = jax.random.key(seed)
    k1, k2 = jax.random.split(key)
    x = jax.random.randint(k1, (4096, 200), 0, 1000000, dtype=jnp.int64 if jax.config.jax_enable_x64 else jnp.int32)
    table = jax.random.normal(k2, (1000000, D_MODEL), dtype=jnp.float32)
    return {"x": x, "table": table}


def reference(x, table):
    # embedding lookup (gather)
    emb = jnp.take(table, x, axis=0)  # [B, S, d_model]
    # positional encoding based on seq_len = x.shape[1]
    pe = positional_encoding(x.shape[1], D_MODEL)  # [S, d_model]
    # dropout is identity in eval mode
    return emb + pe[None, :, :]

if __name__ == "__main__":
    import jax
    _d = setup_inputs()
    print(jax.jit(kernel)(*tuple(_d.values())))

</pallas_src>

<mosaic_0001>
#map = affine_map<(d0, d1) -> (0, 0)>
#map1 = affine_map<(d0, d1) -> (0, 0, 0, 0, 0)>
module attributes {stable_mosaic.version = 14 : i64} {
  func.func @k(%arg0: i32, %arg1: i32, %arg2: memref<200x4096xi32, #tpu.memory_space<hbm>>, %arg3: memref<200x64xf32, #tpu.memory_space<hbm>>, %arg4: memref<1000000x128xf32, #tpu.memory_space<hbm>>, %arg5: memref<200x8x32x8x128xf32, #tpu.memory_space<hbm>>, %arg6: memref<200x128xi32, #tpu.memory_space<vmem>>, %arg7: memref<200x64xf32, #tpu.memory_space<vmem>>, %arg8: memref<128x128xf32, #tpu.memory_space<vmem>>, %arg9: memref<128x128xf32, #tpu.memory_space<vmem>>, %arg10: memref<8x8x129xf32, #tpu.memory_space<vmem>>, %arg11: memref<8x8x129xf32, #tpu.memory_space<vmem>>, %arg12: memref<!tpu.dma_semaphore, #tpu.memory_space<semaphore_mem>>, %arg13: memref<!tpu.dma_semaphore, #tpu.memory_space<semaphore_mem>>, %arg14: memref<!tpu.dma_semaphore, #tpu.memory_space<semaphore_mem>>, %arg15: memref<!tpu.dma_semaphore, #tpu.memory_space<semaphore_mem>>) attributes {dimension_semantics = [#tpu.dimension_semantics<core_parallel>, #tpu.dimension_semantics<subcore_parallel>], iteration_bounds = array<i64: 2, 16>, scalar_prefetch = 0 : i64, scratch_operands = 10 : i64, tpu.core_type = #tpu.core_type<sc_vector_subcore>, window_params = [{transform_indices = #map}, {transform_indices = #map}, {transform_indices = #map}, {transform_indices = #map1}]} {
    %mul3A = arith.constant 2 : i32
    %mul3A_0 = arith.muli %arg1, %mul3A : i32
    %add3A = arith.addi %mul3A_0, %arg0 : i32
    %mul3A_1 = arith.constant 128 : i32
    %mul3A_2 = arith.muli %add3A, %mul3A_1 : i32
    "tpu.region"() ({
      %run_scoped3A = tpu.sem_alloc : memref<!tpu.dma_semaphore, #tpu.memory_space<semaphore_mem>>
      %dma_start3A_96 = arith.constant 0 : i32
      %dma_start3A_97 = tpu.memref_slice %arg2[%dma_start3A_96, %mul3A_2] : memref<200x4096xi32, #tpu.memory_space<hbm>> -> memref<200x128xi32, #tpu.memory_space<hbm>>
      %dma_start3A_98 = arith.constant 0 : i32
      %dma_start3A_99 = tpu.memref_slice %arg2[%dma_start3A_98, %mul3A_2] : memref<200x4096xi32, #tpu.memory_space<hbm>> -> memref<200x128xi32, #tpu.memory_space<hbm>>
      tpu.enqueue_dma source(%dma_start3A_99 : memref<200x128xi32, #tpu.memory_space<hbm>>) target(%arg6 : memref<200x128xi32, #tpu.memory_space<vmem>>) target_semaphore(%run_scoped3A : memref<!tpu.dma_semaphore, #tpu.memory_space<semaphore_mem>>)
      %dma_wait3A_100 = arith.constant 0 : i32
      %dma_wait3A_101 = tpu.memref_slice %arg2[%dma_wait3A_100, %mul3A_2] : memref<200x4096xi32, #tpu.memory_space<hbm>> -> memref<200x128xi32, #tpu.memory_space<hbm>>
      %dma_wait3A_102 = arith.constant 0 : i32
      %dma_wait3A_103 = tpu.memref_slice %arg2[%dma_wait3A_102, %mul3A_2] : memref<200x4096xi32, #tpu.memory_space<hbm>> -> memref<200x128xi32, #tpu.memory_space<hbm>>
      tpu.wait_dma2 semaphore(%run_scoped3A : memref<!tpu.dma_semaphore, #tpu.memory_space<semaphore_mem>>) src(%dma_wait3A_103 : memref<200x128xi32, #tpu.memory_space<hbm>>) dst(%arg6 : memref<200x128xi32, #tpu.memory_space<vmem>>)
      tpu.yield
    }) : () -> ()
    "tpu.region"() ({
      %run_scoped3A = tpu.sem_alloc : memref<!tpu.dma_semaphore, #tpu.memory_space<semaphore_mem>>
      tpu.enqueue_dma source(%arg3 : memref<200x64xf32, #tpu.memory_space<hbm>>) target(%arg7 : memref<200x64xf32, #tpu.memory_space<vmem>>) target_semaphore(%run_scoped3A : memref<!tpu.dma_semaphore, #tpu.memory_space<semaphore_mem>>)
      tpu.wait_dma2 semaphore(%run_scoped3A : memref<!tpu.dma_semaphore, #tpu.memory_space<semaphore_mem>>) src(%arg3 : memref<200x64xf32, #tpu.memory_space<hbm>>) dst(%arg7 : memref<200x64xf32, #tpu.memory_space<vmem>>)
      tpu.yield
    }) : () -> ()
    %iota3A = tpu.iota {dimensions = array<i32: 0>} : vector<16xi32>
    %add3A_3 = arith.constant 0 : i32
    %add3A_4 = vector.broadcast %add3A_3 : i32 to vector<16xi32>
    %add3A_5 = arith.addi %iota3A, %add3A_4 : vector<16xi32>
    %shift_right_arithmetic3A = arith.constant 3 : i32
    %shift_right_arithmetic3A_6 = vector.broadcast %shift_right_arithmetic3A : i32 to vector<16xi32>
    %shift_right_arithmetic3A_7 = arith.shrsi %add3A_5, %shift_right_arithmetic3A_6 : vector<16xi32>
    %add3A_8 = arith.constant 16 : i32
    %add3A_9 = vector.broadcast %add3A_8 : i32 to vector<16xi32>
    %add3A_10 = arith.addi %iota3A, %add3A_9 : vector<16xi32>
    %shift_right_arithmetic3A_11 = arith.constant 3 : i32
    %shift_right_arithmetic3A_12 = vector.broadcast %shift_right_arithmetic3A_11 : i32 to vector<16xi32>
    %shift_right_arithmetic3A_13 = arith.shrsi %add3A_10, %shift_right_arithmetic3A_12 : vector<16xi32>
    %add3A_14 = arith.constant 32 : i32
    %add3A_15 = vector.broadcast %add3A_14 : i32 to vector<16xi32>
    %add3A_16 = arith.addi %iota3A, %add3A_15 : vector<16xi32>
    %shift_right_arithmetic3A_17 = arith.constant 3 : i32
    %shift_right_arithmetic3A_18 = vector.broadcast %shift_right_arithmetic3A_17 : i32 to vector<16xi32>
    %shift_right_arithmetic3A_19 = arith.shrsi %add3A_16, %shift_right_arithmetic3A_18 : vector<16xi32>
    %add3A_20 = arith.constant 48 : i32
    %add3A_21 = vector.broadcast %add3A_20 : i32 to vector<16xi32>
    %add3A_22 = arith.addi %iota3A, %add3A_21 : vector<16xi32>
    %shift_right_arithmetic3A_23 = arith.constant 3 : i32
    %shift_right_arithmetic3A_24 = vector.broadcast %shift_right_arithmetic3A_23 : i32 to vector<16xi32>
    %shift_right_arithmetic3A_25 = arith.shrsi %add3A_22, %shift_right_arithmetic3A_24 : vector<16xi32>
    %add3A_26 = arith.constant 0 : i32
    %add3A_27 = vector.broadcast %add3A_26 : i32 to vector<16xi32>
    %add3A_28 = arith.addi %iota3A, %add3A_27 : vector<16xi32>
    %and3A = arith.constant 7 : i32
    %and3A_29 = vector.broadcast %and3A : i32 to vector<16xi32>
    %and3A_30 = arith.andi %add3A_28, %and3A_29 : vector<16xi32>
    %add3A_31 = arith.constant 16 : i32
    %add3A_32 = vector.broadcast %add3A_31 : i32 to vector<16xi32>
    %add3A_33 = arith.addi %iota3A, %add3A_32 : vector<16xi32>
    %and3A_34 = arith.constant 7 : i32
    %and3A_35 = vector.broadcast %and3A_34 : i32 to vector<16xi32>
    %and3A_36 = arith.andi %add3A_33, %and3A_35 : vector<16xi32>
    %add3A_37 = arith.constant 32 : i32
    %add3A_38 = vector.broadcast %add3A_37 : i32 to vector<16xi32>
    %add3A_39 = arith.addi %iota3A, %add3A_38 : vector<16xi32>
    %and3A_40 = arith.constant 7 : i32
    %and3A_41 = vector.broadcast %and3A_40 : i32 to vector<16xi32>
    %and3A_42 = arith.andi %add3A_39, %and3A_41 : vector<16xi32>
    %add3A_43 = arith.constant 48 : i32
    %add3A_44 = vector.broadcast %add3A_43 : i32 to vector<16xi32>
    %add3A_45 = arith.addi %iota3A, %add3A_44 : vector<16xi32>
    %and3A_46 = arith.constant 7 : i32
    %and3A_47 = vector.broadcast %and3A_46 : i32 to vector<16xi32>
    %and3A_48 = arith.andi %add3A_45, %and3A_47 : vector<16xi32>
    %dma_start3A = arith.constant 0 : i32
    %dma_start3A_49 = arith.constant 0 : i32
    %dma_start3A_50 = tpu.memref_slice %arg6[%dma_start3A, %dma_start3A_49] : memref<200x128xi32, #tpu.memory_space<vmem>> -> memref<1x128xi32, #tpu.memory_space<vmem>>
    %dma_start3A_51 = tpu.memref_squeeze %dma_start3A_50 : memref<1x128xi32, #tpu.memory_space<vmem>> -> memref<128xi32, #tpu.memory_space<vmem>>
    %dma_start3A_52 = arith.constant 0 : i32
    %dma_start3A_53 = arith.constant 0 : i32
    %dma_start3A_54 = tpu.memref_slice %arg4[%dma_start3A_52, %dma_start3A_53] : memref<1000000x128xf32, #tpu.memory_space<hbm>> -> memref<1000000x128xf32, #tpu.memory_space<hbm>>
    tpu.enqueue_indirect_dma source(%dma_start3A_54 : memref<1000000x128xf32, #tpu.memory_space<hbm>>) target(%arg8 : memref<128x128xf32, #tpu.memory_space<vmem>>) offsets(%dma_start3A_51 : memref<128xi32, #tpu.memory_space<vmem>>) semaphore(%arg12 : memref<!tpu.dma_semaphore, #tpu.memory_space<semaphore_mem>>)
    %scan3A = arith.constant 0 : i32
    %scan3A_55 = arith.constant 100 : i32
    %scan3A_56 = arith.addi %scan3A, %scan3A_55 : i32
    %scan3A_57 = arith.constant 1 : i32
    scf.for %scan3A_96 = %scan3A to %scan3A_56 step %scan3A_57  : i32 {
      %mul3A_97 = arith.constant 2 : i32
      %mul3A_98 = arith.muli %mul3A_97, %scan3A_96 : i32
      %add3A_99 = arith.constant 1 : i32
      %add3A_100 = arith.addi %mul3A_98, %add3A_99 : i32
      %dma_start3A_101 = arith.constant 0 : i32
      %dma_start3A_102 = tpu.memref_slice %arg6[%add3A_100, %dma_start3A_101] : memref<200x128xi32, #tpu.memory_space<vmem>> -> memref<1x128xi32, #tpu.memory_space<vmem>>
      %dma_start3A_103 = tpu.memref_squeeze %dma_start3A_102 : memref<1x128xi32, #tpu.memory_space<vmem>> -> memref<128xi32, #tpu.memory_space<vmem>>
      %dma_start3A_104 = arith.constant 0 : i32
      %dma_start3A_105 = arith.constant 0 : i32
      %dma_start3A_106 = tpu.memref_slice %arg4[%dma_start3A_104, %dma_start3A_105] : memref<1000000x128xf32, #tpu.memory_space<hbm>> -> memref<1000000x128xf32, #tpu.memory_space<hbm>>
      tpu.enqueue_indirect_dma source(%dma_start3A_106 : memref<1000000x128xf32, #tpu.memory_space<hbm>>) target(%arg9 : memref<128x128xf32, #tpu.memory_space<vmem>>) offsets(%dma_start3A_103 : memref<128xi32, #tpu.memory_space<vmem>>) semaphore(%arg13 : memref<!tpu.dma_semaphore, #tpu.memory_space<semaphore_mem>>)
      %dma_wait3A_107 = arith.constant 0 : i32
      %dma_wait3A_108 = arith.constant 0 : i32
      %dma_wait3A_109 = tpu.memref_slice %arg6[%dma_wait3A_107, %dma_wait3A_108] : memref<200x128xi32, #tpu.memory_space<vmem>> -> memref<1x128xi32, #tpu.memory_space<vmem>>
      %dma_wait3A_110 = tpu.memref_squeeze %dma_wait3A_109 : memref<1x128xi32, #tpu.memory_space<vmem>> -> memref<128xi32, #tpu.memory_space<vmem>>
      %dma_wait3A_111 = arith.constant 0 : i32
      %dma_wait3A_112 = arith.constant 0 : i32
      %dma_wait3A_113 = tpu.memref_slice %arg4[%dma_wait3A_111, %dma_wait3A_112] : memref<1000000x128xf32, #tpu.memory_space<hbm>> -> memref<1000000x128xf32, #tpu.memory_space<hbm>>
      tpu.wait_indirect_dma semaphore(%arg12 : memref<!tpu.dma_semaphore, #tpu.memory_space<semaphore_mem>>) src(%dma_wait3A_113 : memref<1000000x128xf32, #tpu.memory_space<hbm>>) dst(%arg8 : memref<128x128xf32, #tpu.memory_space<vmem>>)
      %gt3A = arith.constant 0 : i32
      %gt3A_114 = arith.cmpi sgt, %scan3A_96, %gt3A : i32
      %convert_element_type3A = arith.extui %gt3A_114 : i1 to i32
      %cond3A = arith.constant 0 : i32
      %cond3A_115 = arith.cmpi ne, %convert_element_type3A, %cond3A : i32
      scf.if %cond3A_115 {
        %dma_wait3A_196 = arith.constant 0 : i32
        %dma_wait3A_197 = arith.constant 0 : i32
        %dma_wait3A_198 = arith.constant 0 : i32
        %dma_wait3A_199 = arith.constant 0 : i32
        %dma_wait3A_200 = tpu.memref_slice %arg10[%dma_wait3A_197, %dma_wait3A_198, %dma_wait3A_199] : memref<8x8x129xf32, #tpu.memory_space<vmem>> -> memref<8x8x128xf32, #tpu.memory_space<vmem>>
        %dma_wait3A_201 = arith.constant 0 : i32
        %dma_wait3A_202 = arith.constant 0 : i32
        %dma_wait3A_203 = arith.constant 0 : i32
        %dma_wait3A_204 = tpu.memref_slice %arg5[%dma_wait3A_196, %dma_wait3A_201, %add3A, %dma_wait3A_202, %dma_wait3A_203] : memref<200x8x32x8x128xf32, #tpu.memory_space<hbm>> -> memref<1x8x1x8x128xf32, #tpu.memory_space<hbm>>
        %dma_wait3A_205 = tpu.memref_squeeze %dma_wait3A_204 : memref<1x8x1x8x128xf32, #tpu.memory_space<hbm>> -> memref<8x8x128xf32, #tpu.memory_space<hbm>>
        %dma_wait3A_206 = arith.constant 0 : i32
        %dma_wait3A_207 = arith.constant 0 : i32
        %dma_wait3A_208 = arith.constant 0 : i32
        %dma_wait3A_209 = tpu.memref_slice %arg5[%dma_wait3A_196, %dma_wait3A_206, %add3A, %dma_wait3A_207, %dma_wait3A_208] : memref<200x8x32x8x128xf32, #tpu.memory_space<hbm>> -> memref<1x8x1x8x128xf32, #tpu.memory_space<hbm>>
        %dma_wait3A_210 = tpu.memref_squeeze %dma_wait3A_209 : memref<1x8x1x8x128xf32, #tpu.memory_space<hbm>> -> memref<8x8x128xf32, #tpu.memory_space<hbm>>
        %dma_wait3A_211 = arith.constant 0 : i32
        %dma_wait3A_212 = arith.constant 0 : i32
        %dma_wait3A_213 = arith.constant 0 : i32
        %dma_wait3A_214 = tpu.memref_slice %arg10[%dma_wait3A_211, %dma_wait3A_212, %dma_wait3A_213] : memref<8x8x129xf32, #tpu.memory_space<vmem>> -> memref<8x8x128xf32, #tpu.memory_space<vmem>>
        tpu.wait_dma2 semaphore(%arg14 : memref<!tpu.dma_semaphore, #tpu.memory_space<semaphore_mem>>) src(%dma_wait3A_214 : memref<8x8x128xf32, #tpu.memory_space<vmem>>) dst(%dma_wait3A_210 : memref<8x8x128xf32, #tpu.memory_space<hbm>>)
      } else {
      }
      %get3A = arith.index_cast %mul3A_98 : i32 to index
      %get3A_116 = arith.constant 0 : index
      %get3A_117 = tpu.vector_load %arg7[%get3A, %get3A_116] {strides = array<i32>} : memref<200x64xf32, #tpu.memory_space<vmem>>, vector<16xf32>,
      %get3A_118 = arith.index_cast %mul3A_98 : i32 to index
      %get3A_119 = arith.constant 16 : index
      %get3A_120 = tpu.vector_load %arg7[%get3A_118, %get3A_119] {strides = array<i32>} : memref<200x64xf32, #tpu.memory_space<vmem>>, vector<16xf32>,
      %get3A_121 = arith.index_cast %mul3A_98 : i32 to index
      %get3A_122 = arith.constant 32 : index
      %get3A_123 = tpu.vector_load %arg7[%get3A_121, %get3A_122] {strides = array<i32>} : memref<200x64xf32, #tpu.memory_space<vmem>>, vector<16xf32>,
      %get3A_124 = arith.index_cast %mul3A_98 : i32 to index
      %get3A_125 = arith.constant 48 : index
      %get3A_126 = tpu.vector_load %arg7[%get3A_124, %get3A_125] {strides = array<i32>} : memref<200x64xf32, #tpu.memory_space<vmem>>, vector<16xf32>,
      %parallel_loop3A = arith.constant 0 : i32
      %parallel_loop3A_127 = arith.constant 128 : i32
      %parallel_loop3A_128 = arith.constant 1 : i32
      scf.for %parallel_loop3A_196 = %parallel_loop3A to %parallel_loop3A_127 step %parallel_loop3A_128  : i32 {
        %parallel_loop3A_197 = arith.constant 0 : i32
        %parallel_loop3A_198 = vector.broadcast %parallel_loop3A_197 : i32 to vector<16xi32>
        %parallel_loop3A_199 = arith.andi %iota3A, %parallel_loop3A_198 : vector<16xi32>
        %parallel_loop3A_200 = vector.broadcast %parallel_loop3A_196 : i32 to vector<16xi32>
        %parallel_loop3A_201 = arith.addi %parallel_loop3A_199, %parallel_loop3A_200 : vector<16xi32>
        %parallel_loop3A_202 = arith.index_cast %parallel_loop3A_196 : i32 to index
        %parallel_loop3A_203 = arith.constant 0 : index
        %parallel_loop3A_204 = tpu.vector_load %arg8[%parallel_loop3A_202, %parallel_loop3A_203] {strides = array<i32>} : memref<128x128xf32, #tpu.memory_space<vmem>>, vector<16xf32>,
        %parallel_loop3A_205 = arith.addf %parallel_loop3A_204, %get3A_117 : vector<16xf32>
        tpu.vector_store_idx %arg10[%shift_right_arithmetic3A_7, %and3A_30, %parallel_loop3A_201], %parallel_loop3A_205 : memref<8x8x129xf32, #tpu.memory_space<vmem>>[vector<16xi32>, vector<16xi32>, vector<16xi32>], vector<16xf32>,
        %parallel_loop3A_206 = arith.index_cast %parallel_loop3A_196 : i32 to index
        %parallel_loop3A_207 = arith.constant 16 : index
        %parallel_loop3A_208 = tpu.vector_load %arg8[%parallel_loop3A_206, %parallel_loop3A_207] {strides = array<i32>} : memref<128x128xf32, #tpu.memory_space<vmem>>, vector<16xf32>,
        %parallel_loop3A_209 = arith.addf %parallel_loop3A_208, %get3A_120 : vector<16xf32>
        tpu.vector_store_idx %arg10[%shift_right_arithmetic3A_13, %and3A_36, %parallel_loop3A_201], %parallel_loop3A_209 : memref<8x8x129xf32, #tpu.memory_space<vmem>>[vector<16xi32>, vector<16xi32>, vector<16xi32>], vector<16xf32>,
        %parallel_loop3A_210 = arith.index_cast %parallel_loop3A_196 : i32 to index
        %parallel_loop3A_211 = arith.constant 32 : index
        %parallel_loop3A_212 = tpu.vector_load %arg8[%parallel_loop3A_210, %parallel_loop3A_211] {strides = array<i32>} : memref<128x128xf32, #tpu.memory_space<vmem>>, vector<16xf32>,
        %parallel_loop3A_213 = arith.addf %parallel_loop3A_212, %get3A_123 : vector<16xf32>
        tpu.vector_store_idx %arg10[%shift_right_arithmetic3A_19, %and3A_42, %parallel_loop3A_201], %parallel_loop3A_213 : memref<8x8x129xf32, #tpu.memory_space<vmem>>[vector<16xi32>, vector<16xi32>, vector<16xi32>], vector<16xf32>,
        %parallel_loop3A_214 = arith.index_cast %parallel_loop3A_196 : i32 to index
        %parallel_loop3A_215 = arith.constant 48 : index
        %parallel_loop3A_216 = tpu.vector_load %arg8[%parallel_loop3A_214, %parallel_loop3A_215] {strides = array<i32>} : memref<128x128xf32, #tpu.memory_space<vmem>>, vector<16xf32>,
        %parallel_loop3A_217 = arith.addf %parallel_loop3A_216, %get3A_126 : vector<16xf32>
        tpu.vector_store_idx %arg10[%shift_right_arithmetic3A_25, %and3A_48, %parallel_loop3A_201], %parallel_loop3A_217 : memref<8x8x129xf32, #tpu.memory_space<vmem>>[vector<16xi32>, vector<16xi32>, vector<16xi32>], vector<16xf32>,
      } {sc.loop_unroll_factor = 8 : i64, sc.parallel_access}
      %dma_start3A_129 = arith.constant 0 : i32
      %dma_start3A_130 = arith.constant 0 : i32
      %dma_start3A_131 = arith.constant 0 : i32
      %dma_start3A_132 = tpu.memref_slice %arg10[%dma_start3A_129, %dma_start3A_130, %dma_start3A_131] : memref<8x8x129xf32, #tpu.memory_space<vmem>> -> memref<8x8x128xf32, #tpu.memory_space<vmem>>
      %dma_start3A_133 = arith.constant 0 : i32
      %dma_start3A_134 = arith.constant 0 : i32
      %dma_start3A_135 = arith.constant 0 : i32
      %dma_start3A_136 = tpu.memref_slice %arg5[%mul3A_98, %dma_start3A_133, %add3A, %dma_start3A_134, %dma_start3A_135] : memref<200x8x32x8x128xf32, #tpu.memory_space<hbm>> -> memref<1x8x1x8x128xf32, #tpu.memory_space<hbm>>
      %dma_start3A_137 = tpu.memref_squeeze %dma_start3A_136 : memref<1x8x1x8x128xf32, #tpu.memory_space<hbm>> -> memref<8x8x128xf32, #tpu.memory_space<hbm>>
      %dma_start3A_138 = arith.constant 0 : i32
      %dma_start3A_139 = arith.constant 0 : i32
      %dma_start3A_140 = arith.constant 0 : i32
      %dma_start3A_141 = tpu.memref_slice %arg5[%mul3A_98, %dma_start3A_138, %add3A, %dma_start3A_139, %dma_start3A_140] : memref<200x8x32x8x128xf32, #tpu.memory_space<hbm>> -> memref<1x8x1x8x128xf32, #tpu.memory_space<hbm>>
      %dma_start3A_142 = tpu.memref_squeeze %dma_start3A_141 : memref<1x8x1x8x128xf32, #tpu.memory_space<hbm>> -> memref<8x8x128xf32, #tpu.memory_space<hbm>>
      %dma_start3A_143 = arith.constant 0 : i32
      %dma_start3A_144 = arith.constant 0 : i32
      %dma_start3A_145 = arith.constant 0 : i32
      %dma_start3A_146 = tpu.memref_slice %arg10[%dma_start3A_143, %dma_start3A_144, %dma_start3A_145] : memref<8x8x129xf32, #tpu.memory_space<vmem>> -> memref<8x8x128xf32, #tpu.memory_space<vmem>>
      tpu.enqueue_dma source(%dma_start3A_146 : memref<8x8x128xf32, #tpu.memory_space<vmem>>) target(%dma_start3A_142 : memref<8x8x128xf32, #tpu.memory_space<hbm>>) target_semaphore(%arg14 : memref<!tpu.dma_semaphore, #tpu.memory_space<semaphore_mem>>)
      %lt3A = arith.constant 99 : i32
      %lt3A_147 = arith.cmpi slt, %scan3A_96, %lt3A : i32
      %convert_element_type3A_148 = arith.extui %lt3A_147 : i1 to i32
      %cond3A_149 = arith.constant 0 : i32
      %cond3A_150 = arith.cmpi ne, %convert_element_type3A_148, %cond3A_149 : i32
      scf.if %cond3A_150 {
        %add3A_196 = arith.constant 2 : i32
        %add3A_197 = arith.addi %mul3A_98, %add3A_196 : i32
        %dma_start3A_198 = arith.constant 0 : i32
        %dma_start3A_199 = tpu.memref_slice %arg6[%add3A_197, %dma_start3A_198] : memref<200x128xi32, #tpu.memory_space<vmem>> -> memref<1x128xi32, #tpu.memory_space<vmem>>
        %dma_start3A_200 = tpu.memref_squeeze %dma_start3A_199 : memref<1x128xi32, #tpu.memory_space<vmem>> -> memref<128xi32, #tpu.memory_space<vmem>>
        %dma_start3A_201 = arith.constant 0 : i32
        %dma_start3A_202 = arith.constant 0 : i32
        %dma_start3A_203 = tpu.memref_slice %arg4[%dma_start3A_201, %dma_start3A_202] : memref<1000000x128xf32, #tpu.memory_space<hbm>> -> memref<1000000x128xf32, #tpu.memory_space<hbm>>
        tpu.enqueue_indirect_dma source(%dma_start3A_203 : memref<1000000x128xf32, #tpu.memory_space<hbm>>) target(%arg8 : memref<128x128xf32, #tpu.memory_space<vmem>>) offsets(%dma_start3A_200 : memref<128xi32, #tpu.memory_space<vmem>>) semaphore(%arg12 : memref<!tpu.dma_semaphore, #tpu.memory_space<semaphore_mem>>)
      } else {
      }
      %dma_wait3A_151 = arith.constant 0 : i32
      %dma_wait3A_152 = arith.constant 0 : i32
      %dma_wait3A_153 = tpu.memref_slice %arg6[%dma_wait3A_151, %dma_wait3A_152] : memref<200x128xi32, #tpu.memory_space<vmem>> -> memref<1x128xi32, #tpu.memory_space<vmem>>
      %dma_wait3A_154 = tpu.memref_squeeze %dma_wait3A_153 : memref<1x128xi32, #tpu.memory_space<vmem>> -> memref<128xi32, #tpu.memory_space<vmem>>
      %dma_wait3A_155 = arith.constant 0 : i32
      %dma_wait3A_156 = arith.constant 0 : i32
      %dma_wait3A_157 = tpu.memref_slice %arg4[%dma_wait3A_155, %dma_wait3A_156] : memref<1000000x128xf32, #tpu.memory_space<hbm>> -> memref<1000000x128xf32, #tpu.memory_space<hbm>>
      tpu.wait_indirect_dma semaphore(%arg13 : memref<!tpu.dma_semaphore, #tpu.memory_space<semaphore_mem>>) src(%dma_wait3A_157 : memref<1000000x128xf32, #tpu.memory_space<hbm>>) dst(%arg9 : memref<128x128xf32, #tpu.memory_space<vmem>>)
      %gt3A_158 = arith.constant 0 : i32
      %gt3A_159 = arith.cmpi sgt, %scan3A_96, %gt3A_158 : i32
      %convert_element_type3A_160 = arith.extui %gt3A_159 : i1 to i32
      %cond3A_161 = arith.constant 0 : i32
      %cond3A_162 = arith.cmpi ne, %convert_element_type3A_160, %cond3A_161 : i32
      scf.if %cond3A_162 {
        %dma_wait3A_196 = arith.constant 0 : i32
        %dma_wait3A_197 = arith.constant 0 : i32
        %dma_wait3A_198 = arith.constant 0 : i32
        %dma_wait3A_199 = arith.constant 0 : i32
        %dma_wait3A_200 = tpu.memref_slice %arg11[%dma_wait3A_197, %dma_wait3A_198, %dma_wait3A_199] : memref<8x8x129xf32, #tpu.memory_space<vmem>> -> memref<8x8x128xf32, #tpu.memory_space<vmem>>
        %dma_wait3A_201 = arith.constant 0 : i32
        %dma_wait3A_202 = arith.constant 0 : i32
        %dma_wait3A_203 = arith.constant 0 : i32
        %dma_wait3A_204 = tpu.memref_slice %arg5[%dma_wait3A_196, %dma_wait3A_201, %add3A, %dma_wait3A_202, %dma_wait3A_203] : memref<200x8x32x8x128xf32, #tpu.memory_space<hbm>> -> memref<1x8x1x8x128xf32, #tpu.memory_space<hbm>>
        %dma_wait3A_205 = tpu.memref_squeeze %dma_wait3A_204 : memref<1x8x1x8x128xf32, #tpu.memory_space<hbm>> -> memref<8x8x128xf32, #tpu.memory_space<hbm>>
        %dma_wait3A_206 = arith.constant 0 : i32
        %dma_wait3A_207 = arith.constant 0 : i32
        %dma_wait3A_208 = arith.constant 0 : i32
        %dma_wait3A_209 = tpu.memref_slice %arg5[%dma_wait3A_196, %dma_wait3A_206, %add3A, %dma_wait3A_207, %dma_wait3A_208] : memref<200x8x32x8x128xf32, #tpu.memory_space<hbm>> -> memref<1x8x1x8x128xf32, #tpu.memory_space<hbm>>
        %dma_wait3A_210 = tpu.memref_squeeze %dma_wait3A_209 : memref<1x8x1x8x128xf32, #tpu.memory_space<hbm>> -> memref<8x8x128xf32, #tpu.memory_space<hbm>>
        %dma_wait3A_211 = arith.constant 0 : i32
        %dma_wait3A_212 = arith.constant 0 : i32
        %dma_wait3A_213 = arith.constant 0 : i32
        %dma_wait3A_214 = tpu.memref_slice %arg11[%dma_wait3A_211, %dma_wait3A_212, %dma_wait3A_213] : memref<8x8x129xf32, #tpu.memory_space<vmem>> -> memref<8x8x128xf32, #tpu.memory_space<vmem>>
        tpu.wait_dma2 semaphore(%arg15 : memref<!tpu.dma_semaphore, #tpu.memory_space<semaphore_mem>>) src(%dma_wait3A_214 : memref<8x8x128xf32, #tpu.memory_space<vmem>>) dst(%dma_wait3A_210 : memref<8x8x128xf32, #tpu.memory_space<hbm>>)
      } else {
      }
      %get3A_163 = arith.index_cast %add3A_100 : i32 to index
      %get3A_164 = arith.constant 0 : index
      %get3A_165 = tpu.vector_load %arg7[%get3A_163, %get3A_164] {strides = array<i32>} : memref<200x64xf32, #tpu.memory_space<vmem>>, vector<16xf32>,
      %get3A_166 = arith.index_cast %add3A_100 : i32 to index
      %get3A_167 = arith.constant 16 : index
      %get3A_168 = tpu.vector_load %arg7[%get3A_166, %get3A_167] {strides = array<i32>} : memref<200x64xf32, #tpu.memory_space<vmem>>, vector<16xf32>,
      %get3A_169 = arith.index_cast %add3A_100 : i32 to index
      %get3A_170 = arith.constant 32 : index
      %get3A_171 = tpu.vector_load %arg7[%get3A_169, %get3A_170] {strides = array<i32>} : memref<200x64xf32, #tpu.memory_space<vmem>>, vector<16xf32>,
      %get3A_172 = arith.index_cast %add3A_100 : i32 to index
      %get3A_173 = arith.constant 48 : index
      %get3A_174 = tpu.vector_load %arg7[%get3A_172, %get3A_173] {strides = array<i32>} : memref<200x64xf32, #tpu.memory_space<vmem>>, vector<16xf32>,
      %parallel_loop3A_175 = arith.constant 0 : i32
      %parallel_loop3A_176 = arith.constant 128 : i32
      %parallel_loop3A_177 = arith.constant 1 : i32
      scf.for %parallel_loop3A_196 = %parallel_loop3A_175 to %parallel_loop3A_176 step %parallel_loop3A_177  : i32 {
        %parallel_loop3A_197 = arith.constant 0 : i32
        %parallel_loop3A_198 = vector.broadcast %parallel_loop3A_197 : i32 to vector<16xi32>
        %parallel_loop3A_199 = arith.andi %iota3A, %parallel_loop3A_198 : vector<16xi32>
        %parallel_loop3A_200 = vector.broadcast %parallel_loop3A_196 : i32 to vector<16xi32>
        %parallel_loop3A_201 = arith.addi %parallel_loop3A_199, %parallel_loop3A_200 : vector<16xi32>
        %parallel_loop3A_202 = arith.index_cast %parallel_loop3A_196 : i32 to index
        %parallel_loop3A_203 = arith.constant 0 : index
        %parallel_loop3A_204 = tpu.vector_load %arg9[%parallel_loop3A_202, %parallel_loop3A_203] {strides = array<i32>} : memref<128x128xf32, #tpu.memory_space<vmem>>, vector<16xf32>,
        %parallel_loop3A_205 = arith.addf %parallel_loop3A_204, %get3A_165 : vector<16xf32>
        tpu.vector_store_idx %arg11[%shift_right_arithmetic3A_7, %and3A_30, %parallel_loop3A_201], %parallel_loop3A_205 : memref<8x8x129xf32, #tpu.memory_space<vmem>>[vector<16xi32>, vector<16xi32>, vector<16xi32>], vector<16xf32>,
        %parallel_loop3A_206 = arith.index_cast %parallel_loop3A_196 : i32 to index
        %parallel_loop3A_207 = arith.constant 16 : index
        %parallel_loop3A_208 = tpu.vector_load %arg9[%parallel_loop3A_206, %parallel_loop3A_207] {strides = array<i32>} : memref<128x128xf32, #tpu.memory_space<vmem>>, vector<16xf32>,
        %parallel_loop3A_209 = arith.addf %parallel_loop3A_208, %get3A_168 : vector<16xf32>
        tpu.vector_store_idx %arg11[%shift_right_arithmetic3A_13, %and3A_36, %parallel_loop3A_201], %parallel_loop3A_209 : memref<8x8x129xf32, #tpu.memory_space<vmem>>[vector<16xi32>, vector<16xi32>, vector<16xi32>], vector<16xf32>,
        %parallel_loop3A_210 = arith.index_cast %parallel_loop3A_196 : i32 to index
        %parallel_loop3A_211 = arith.constant 32 : index
        %parallel_loop3A_212 = tpu.vector_load %arg9[%parallel_loop3A_210, %parallel_loop3A_211] {strides = array<i32>} : memref<128x128xf32, #tpu.memory_space<vmem>>, vector<16xf32>,
        %parallel_loop3A_213 = arith.addf %parallel_loop3A_212, %get3A_171 : vector<16xf32>
        tpu.vector_store_idx %arg11[%shift_right_arithmetic3A_19, %and3A_42, %parallel_loop3A_201], %parallel_loop3A_213 : memref<8x8x129xf32, #tpu.memory_space<vmem>>[vector<16xi32>, vector<16xi32>, vector<16xi32>], vector<16xf32>,
        %parallel_loop3A_214 = arith.index_cast %parallel_loop3A_196 : i32 to index
        %parallel_loop3A_215 = arith.constant 48 : index
        %parallel_loop3A_216 = tpu.vector_load %arg9[%parallel_loop3A_214, %parallel_loop3A_215] {strides = array<i32>} : memref<128x128xf32, #tpu.memory_space<vmem>>, vector<16xf32>,
        %parallel_loop3A_217 = arith.addf %parallel_loop3A_216, %get3A_174 : vector<16xf32>
        tpu.vector_store_idx %arg11[%shift_right_arithmetic3A_25, %and3A_48, %parallel_loop3A_201], %parallel_loop3A_217 : memref<8x8x129xf32, #tpu.memory_space<vmem>>[vector<16xi32>, vector<16xi32>, vector<16xi32>], vector<16xf32>,
      } {sc.loop_unroll_factor = 8 : i64, sc.parallel_access}
      %dma_start3A_178 = arith.constant 0 : i32
      %dma_start3A_179 = arith.constant 0 : i32
      %dma_start3A_180 = arith.constant 0 : i32
      %dma_start3A_181 = tpu.memref_slice %arg11[%dma_start3A_178, %dma_start3A_179, %dma_start3A_180] : memref<8x8x129xf32, #tpu.memory_space<vmem>> -> memref<8x8x128xf32, #tpu.memory_space<vmem>>
      %dma_start3A_182 = arith.constant 0 : i32
      %dma_start3A_183 = arith.constant 0 : i32
      %dma_start3A_184 = arith.constant 0 : i32
      %dma_start3A_185 = tpu.memref_slice %arg5[%add3A_100, %dma_start3A_182, %add3A, %dma_start3A_183, %dma_start3A_184] : memref<200x8x32x8x128xf32, #tpu.memory_space<hbm>> -> memref<1x8x1x8x128xf32, #tpu.memory_space<hbm>>
      %dma_start3A_186 = tpu.memref_squeeze %dma_start3A_185 : memref<1x8x1x8x128xf32, #tpu.memory_space<hbm>> -> memref<8x8x128xf32, #tpu.memory_space<hbm>>
      %dma_start3A_187 = arith.constant 0 : i32
      %dma_start3A_188 = arith.constant 0 : i32
      %dma_start3A_189 = arith.constant 0 : i32
      %dma_start3A_190 = tpu.memref_slice %arg5[%add3A_100, %dma_start3A_187, %add3A, %dma_start3A_188, %dma_start3A_189] : memref<200x8x32x8x128xf32, #tpu.memory_space<hbm>> -> memref<1x8x1x8x128xf32, #tpu.memory_space<hbm>>
      %dma_start3A_191 = tpu.memref_squeeze %dma_start3A_190 : memref<1x8x1x8x128xf32, #tpu.memory_space<hbm>> -> memref<8x8x128xf32, #tpu.memory_space<hbm>>
      %dma_start3A_192 = arith.constant 0 : i32
      %dma_start3A_193 = arith.constant 0 : i32
      %dma_start3A_194 = arith.constant 0 : i32
      %dma_start3A_195 = tpu.memref_slice %arg11[%dma_start3A_192, %dma_start3A_193, %dma_start3A_194] : memref<8x8x129xf32, #tpu.memory_space<vmem>> -> memref<8x8x128xf32, #tpu.memory_space<vmem>>
      tpu.enqueue_dma source(%dma_start3A_195 : memref<8x8x128xf32, #tpu.memory_space<vmem>>) target(%dma_start3A_191 : memref<8x8x128xf32, #tpu.memory_space<hbm>>) target_semaphore(%arg15 : memref<!tpu.dma_semaphore, #tpu.memory_space<semaphore_mem>>)
    }
    %scan3A_58 = arith.constant 100 : i32
    %dma_wait3A = arith.constant 0 : i32
    %dma_wait3A_59 = arith.constant 0 : i32
    %dma_wait3A_60 = arith.constant 0 : i32
    %dma_wait3A_61 = arith.constant 0 : i32
    %dma_wait3A_62 = tpu.memref_slice %arg10[%dma_wait3A_59, %dma_wait3A_60, %dma_wait3A_61] : memref<8x8x129xf32, #tpu.memory_space<vmem>> -> memref<8x8x128xf32, #tpu.memory_space<vmem>>
    %dma_wait3A_63 = arith.constant 0 : i32
    %dma_wait3A_64 = arith.constant 0 : i32
    %dma_wait3A_65 = arith.constant 0 : i32
    %dma_wait3A_66 = tpu.memref_slice %arg5[%dma_wait3A, %dma_wait3A_63, %add3A, %dma_wait3A_64, %dma_wait3A_65] : memref<200x8x32x8x128xf32, #tpu.memory_space<hbm>> -> memref<1x8x1x8x128xf32, #tpu.memory_space<hbm>>
    %dma_wait3A_67 = tpu.memref_squeeze %dma_wait3A_66 : memref<1x8x1x8x128xf32, #tpu.memory_space<hbm>> -> memref<8x8x128xf32, #tpu.memory_space<hbm>>
    %dma_wait3A_68 = arith.constant 0 : i32
    %dma_wait3A_69 = arith.constant 0 : i32
    %dma_wait3A_70 = arith.constant 0 : i32
    %dma_wait3A_71 = tpu.memref_slice %arg5[%dma_wait3A, %dma_wait3A_68, %add3A, %dma_wait3A_69, %dma_wait3A_70] : memref<200x8x32x8x128xf32, #tpu.memory_space<hbm>> -> memref<1x8x1x8x128xf32, #tpu.memory_space<hbm>>
    %dma_wait3A_72 = tpu.memref_squeeze %dma_wait3A_71 : memref<1x8x1x8x128xf32, #tpu.memory_space<hbm>> -> memref<8x8x128xf32, #tpu.memory_space<hbm>>
    %dma_wait3A_73 = arith.constant 0 : i32
    %dma_wait3A_74 = arith.constant 0 : i32
    %dma_wait3A_75 = arith.constant 0 : i32
    %dma_wait3A_76 = tpu.memref_slice %arg10[%dma_wait3A_73, %dma_wait3A_74, %dma_wait3A_75] : memref<8x8x129xf32, #tpu.memory_space<vmem>> -> memref<8x8x128xf32, #tpu.memory_space<vmem>>
    tpu.wait_dma2 semaphore(%arg14 : memref<!tpu.dma_semaphore, #tpu.memory_space<semaphore_mem>>) src(%dma_wait3A_76 : memref<8x8x128xf32, #tpu.memory_space<vmem>>) dst(%dma_wait3A_72 : memref<8x8x128xf32, #tpu.memory_space<hbm>>)
    %dma_wait3A_77 = arith.constant 0 : i32
    %dma_wait3A_78 = arith.constant 0 : i32
    %dma_wait3A_79 = arith.constant 0 : i32
    %dma_wait3A_80 = arith.constant 0 : i32
    %dma_wait3A_81 = tpu.memref_slice %arg11[%dma_wait3A_78, %dma_wait3A_79, %dma_wait3A_80] : memref<8x8x129xf32, #tpu.memory_space<vmem>> -> memref<8x8x128xf32, #tpu.memory_space<vmem>>
    %dma_wait3A_82 = arith.constant 0 : i32
    %dma_wait3A_83 = arith.constant 0 : i32
    %dma_wait3A_84 = arith.constant 0 : i32
    %dma_wait3A_85 = tpu.memref_slice %arg5[%dma_wait3A_77, %dma_wait3A_82, %add3A, %dma_wait3A_83, %dma_wait3A_84] : memref<200x8x32x8x128xf32, #tpu.memory_space<hbm>> -> memref<1x8x1x8x128xf32, #tpu.memory_space<hbm>>
    %dma_wait3A_86 = tpu.memref_squeeze %dma_wait3A_85 : memref<1x8x1x8x128xf32, #tpu.memory_space<hbm>> -> memref<8x8x128xf32, #tpu.memory_space<hbm>>
    %dma_wait3A_87 = arith.constant 0 : i32
    %dma_wait3A_88 = arith.constant 0 : i32
    %dma_wait3A_89 = arith.constant 0 : i32
    %dma_wait3A_90 = tpu.memref_slice %arg5[%dma_wait3A_77, %dma_wait3A_87, %add3A, %dma_wait3A_88, %dma_wait3A_89] : memref<200x8x32x8x128xf32, #tpu.memory_space<hbm>> -> memref<1x8x1x8x128xf32, #tpu.memory_space<hbm>>
    %dma_wait3A_91 = tpu.memref_squeeze %dma_wait3A_90 : memref<1x8x1x8x128xf32, #tpu.memory_space<hbm>> -> memref<8x8x128xf32, #tpu.memory_space<hbm>>
    %dma_wait3A_92 = arith.constant 0 : i32
    %dma_wait3A_93 = arith.constant 0 : i32
    %dma_wait3A_94 = arith.constant 0 : i32
    %dma_wait3A_95 = tpu.memref_slice %arg11[%dma_wait3A_92, %dma_wait3A_93, %dma_wait3A_94] : memref<8x8x129xf32, #tpu.memory_space<vmem>> -> memref<8x8x128xf32, #tpu.memory_space<vmem>>
    tpu.wait_dma2 semaphore(%arg15 : memref<!tpu.dma_semaphore, #tpu.memory_space<semaphore_mem>>) src(%dma_wait3A_95 : memref<8x8x128xf32, #tpu.memory_space<vmem>>) dst(%dma_wait3A_91 : memref<8x8x128xf32, #tpu.memory_space<hbm>>)
    return
  }
}

</mosaic_0001>

<sc_bundles>
// kernel: _run.3.cloned.1.call-start
scs
__scs_entry_jumppad:
0x0: {  	(pc) =	sbr.rel $0x88, $3  }
0x1: {  	(tag) =	ssettag $0x0;
	lr =	simm.s32 $0x1  }
0x2: {  	[smem:$0x3F9E] =	sst lr;
	_ =	strace $0xD0000000  }
0x3: {  	_ = 	snop  }
0x4: {  	_ = 	snop  }
0x5: {  	_ = 	snop  }
0x6: {  	_ = 	snop  }
0x7: {  	_ = 	snop  }
__scs_overlays_trampoline_lowered:
0x8: {  	[smem:$0x3FAD] =	sst s0  }
0x9: {  	[smem:$0x3FAE] =	sst s1  }
0xa: {  	[smem:$0x3FAF] =	sst s2  }
0xb: {  	[smem:$0x3FB0] =	sst s3  }
0xc: {  	[smem:$0x3FB1] =	sst s4  }
0xd: {  	[smem:$0x3FB2] =	sst s5  }
0xe: {  	[smem:$0x3FB3] =	sst s6  }
0xf: {  	[smem:$0x3FB4] =	sst s7  }
0x10: {  	[smem:$0x3FB5] =	sst s8  }
0x11: {  	[smem:$0x3FB6] =	sst s9;
	s0 =	simm.s32 @!p0 $0x0  }
0x12: {  	s1 =	sld [smem:$0x3F9C];
	s0 =	simm.s32 @p0 $0x1  }
0x13: {  	[smem:$0x3FB7] =	sst s0;
	s0 =	simm.s32 @!p1 $0x0  }
0x14: {  	s2 =	sld [smem:$0x3F9B];
	s0 =	simm.s32 @p1 $0x1  }
0x15: {  	[smem:$0x3FB8] =	sst s0;
	s0 =	simm.s32 @!p2 $0x0  }
0x16: {  	s3 =	sld [smem:$0x3FDB];
	s0 =	simm.s32 @p2 $0x1  }
0x17: {  	s4 =	simm.s32 $0x1BF5;
	[smem:$0x3FBA] =	sst s0  }
0x18: {  	s0 =	sld [smem:$0x3F9D];
	_ =	swait.ge [sflag:s4], $0x0  }
0x19: {  	s7 =	sld [smem:$0x3F9E]  }
0x1a: {  	s8 =	sadd.s32 $0xFFFFE003, lr  }
0x1b: {  	s9 =	sadd.s32 $0xFFFFFEF7, lr;
	s5 =	simm.s32 $0xFFFFFFFF;
	p2 =	slt.u32 s8, $0xFFFFF086  }
0x1c: {  	p1 =	slt.u32 s9, $0xF7A;
	s5 =	simm.s32 @!p2 $0x0  }
0x1d: {  	s5 =	simm.s32 @p1 $0x1;
	p0 =	seq.s32 s7, s2  }
0x1e: {  	s7 =	smul.u32 @!p0 $0xF7A, s2;
	p2 =	seq.s32 @!p0 s5, $0x0  }
0x1f: {  	s9 =	smul.u32 $0xF7A, s1;
	s8 =	simm.s32 @!p0 $0x1BF5;
	p2 =	por !p2, p0  }
0x20: {  	[sflag:s8] =	ssyncset.s32 @!p0 $0xFFFFF086;
	s6 =	sadd.s32 @!p0 s3, s7;
	s7 =	simm.s32 @!p0 $0x108  }
0x21: {  	s3 =	sadd.s32 s3, s9;
	s6 =	sadd.s32 @!p0 $0x88, s6;
	s7 =	simm.s32 @p2 $0x1082  }
0x22: {  	[simem:s7], [sflag:s8] =	dma.local @!p0 [hbm:s6], $0xF7A  }
0x23: {  	s9 =	sor.u32 $0xD0000000, s2;
	s6 =	simm.s32 $0x108;
	_ =	swait.ge @!p0 [sflag:s8], $0x0  }
0x24: {  	s3 =	sadd.s32 $0x88, s3;
	s6 =	simm.s32 @!p1 $0x1082;
	[sflag:s4] =	ssyncset.s32 $0xFFFFF086  }
0x25: {  	[simem:s6], [sflag:s4] =	dma.local [hbm:s3], $0xF7A  }
0x26: {  	[smem:$0x3F9E] =	sst s1;
	(tag) =	ssettag s2;
	_ =	strace s9  }
0x27: {  	s1 =	sld [smem:$0x3FAE]  }
0x28: {  	s2 =	sld [smem:$0x3FAF]  }
0x29: {  	s4 =	sld [smem:$0x3FB1]  }
0x2a: {  	p0 =	seq.s32 s5, $0x0;
	s5 =	sld [smem:$0x3FB2]  }
0x2b: {  	s6 =	sld [smem:$0x3FB3]  }
0x2c: {  	s7 =	sld [smem:$0x3FB4]  }
0x2d: {  	s3 =	simm.s32 $0x108;
	s8 =	sld [smem:$0x3FB5]  }
0x2e: {  	s3 =	simm.s32 @!p0 $0x1082;
	s9 =	sld [smem:$0x3FB6]  }
0x2f: {  	lr =	sadd.s32 s0, s3;
	s0 =	sld [smem:$0x3FAD]  }
0x30: {  	s3 =	sld [smem:$0x3FB0]  }
0x31: {  	[smem:$0x3FB9] =	sst s10  }
0x32: {  	s10 =	sld [smem:$0x3FB7];
	_ =	sdelay $0x3  }
0x33: {  	p0 =	seq.s32 s10, $0x1;
	s10 =	sld [smem:$0x3FB9];
	_ =	sdelay $0x3  }
0x34: {  	[smem:$0x3FB9] =	sst s10  }
0x35: {  	s10 =	sld [smem:$0x3FB8];
	_ =	sdelay $0x3  }
0x36: {  	p1 =	seq.s32 s10, $0x1;
	s10 =	sld [smem:$0x3FB9];
	_ =	sdelay $0x3  }
0x37: {  	[smem:$0x3FB9] =	sst s10  }
0x38: {  	s10 =	sld [smem:$0x3FBA]  }
0x39: {  	_ = 	snop;
	(pc) =	sbr.ind lr, $3  }
0x3a: {  	_ = 	snop  }
0x3b: {  	_ = 	snop  }
0x3c: {  	p2 =	seq.s32 s10, $0x1;
	s10 =	sld [smem:$0x3FB9]  }
0x3d: {  	_ =	shalt  }
0x3e: {  	_ =	shalt  }
0x3f: {  	_ =	shalt  }
0x40: {  	_ =	shalt  }
0x41: {  	_ =	shalt  }
0x42: {  	_ =	shalt  }
0x43: {  	_ =	shalt  }
0x44: {  	_ =	shalt  }
0x45: {  	_ =	shalt  }
0x46: {  	_ =	shalt  }
0x47: {  	_ =	shalt  }
0x48: {  	_ =	shalt  }
0x49: {  	_ =	shalt  }
0x4a: {  	_ =	shalt  }
0x4b: {  	_ =	shalt  }
0x4c: {  	_ =	shalt  }
0x4d: {  	_ =	shalt  }
0x4e: {  	_ =	shalt  }
0x4f: {  	_ =	shalt  }
0x50: {  	_ =	shalt  }
0x51: {  	_ =	shalt  }
0x52: {  	_ =	shalt  }
0x53: {  	_ =	shalt  }
0x54: {  	_ =	shalt  }
0x55: {  	_ =	shalt  }
0x56: {  	_ =	shalt  }
0x57: {  	_ =	shalt  }
0x58: {  	_ =	shalt  }
0x59: {  	_ =	shalt  }
0x5a: {  	_ =	shalt  }
0x5b: {  	_ =	shalt  }
0x5c: {  	_ =	shalt  }
0x5d: {  	_ =	shalt  }
0x5e: {  	_ =	shalt  }
0x5f: {  	_ =	shalt  }
0x60: {  	_ =	shalt  }
0x61: {  	_ =	shalt  }
0x62: {  	_ =	shalt  }
0x63: {  	_ =	shalt  }
0x64: {  	_ =	shalt  }
0x65: {  	_ =	shalt  }
0x66: {  	_ =	shalt  }
0x67: {  	_ =	shalt  }
0x68: {  	_ =	shalt  }
0x69: {  	_ =	shalt  }
0x6a: {  	_ =	shalt  }
0x6b: {  	_ =	shalt  }
0x6c: {  	_ =	shalt  }
0x6d: {  	_ =	shalt  }
0x6e: {  	_ =	shalt  }
0x6f: {  	_ =	shalt  }
0x70: {  	_ =	shalt  }
0x71: {  	_ =	shalt  }
0x72: {  	_ =	shalt  }
0x73: {  	_ =	shalt  }
0x74: {  	_ =	shalt  }
0x75: {  	_ =	shalt  }
0x76: {  	_ =	shalt  }
0x77: {  	_ =	shalt  }
0x78: {  	_ =	shalt  }
0x79: {  	_ =	shalt  }
0x7a: {  	_ =	shalt  }
0x7b: {  	_ =	shalt  }
0x7c: {  	_ =	shalt  }
0x7d: {  	_ =	shalt  }
0x7e: {  	_ =	shalt  }
0x7f: {  	_ =	shalt  }
0x80: {  	_ =	shalt  }
0x81: {  	_ =	shalt  }
0x82: {  	_ =	shalt  }
0x83: {  	_ =	shalt  }
0x84: {  	_ =	shalt  }
0x85: {  	_ =	shalt  }
0x86: {  	_ =	shalt  }
0x87: {  	_ =	shalt  }
.Lfunc_end0:
.L_simem_size_0:
called_computation_lowered:
.L_overlay_start_0:
0x88: {  	s2 =	sld [smem:$0x3FD9]  }
0x89: {  	s3 =	sld [smem:$0x3FFE];
	_ =	sdelay $0x1  }
0x8a: {  	s1 =	srdreg.scid  }
0x8b: {  	s0 =	sand.u32 $0x1, s1  }
0x8c: {  	s17 =	sshll.u32 s0, $0xA;
	s2 =	sadd.s32 s3, s2  }
0x8d: {  	s2 =	sadd.s32 s2, s17  }
0x8e: {  	[smem:$0x3FC5] =	sst s2  }
0x8f: {  	_ = 	snop  }
0x90: {  	s2 =	sld [smem:$0x3FC7]  }
0x91: {  	s18 =	sld [smem:$0x3FD0];
	(tm) =	ssettm $0x1  }
0x92: {  	s4 =	sld [smem:$0x3FFB];
	_ =	sdelay $0x3  }
0x93: {  	_ =	strace s4  }
0x94: {  	s4 =	sld [smem:$0x3FFC];
	_ =	sdelay $0x3  }
0x95: {  	_ =	strace s4  }
0x96: {  	s4 =	sld [smem:$0x3FFD];
	_ =	sdelay $0x3  }
0x97: {  	_ =	strace s4  }
0x98: {  	_ =	strace $0x8FFFFFFF  }
0x99: {  	s19 =	sld [smem:$0x3FDB];
	_ =	sdelay $0x1  }
0x9a: {  	s5 =	simm.s32 $_scs_section_size  }
0x9b: {  	s6 =	simm.s32 $_size__tile_overlayer_lowered;
	s7 =	simm.s32 $_tile_overlayer_lowered  }
0x9c: {  	s22 =	simm.s32 $0x1BFF;
	s21 =	sshll.u32 s7, $0x1;
	s4 =	sadd.s32 s5, s19  }
0x9d: {  	s8 =	simm.s32 $0x0;
	s20 =	sshll.u32 s6, $0x1;
	s6 =	sadd.s32 s21, s4  }
0x9e: {  	[timem:s8], [sflag:s22] =	dma.local [hbm:s6], s20  }
0x9f: {  	_ =	swait.ge [sflag:s22], s20  }
0xa0: {  	s5 =	ssub.s32 $0x0, s20;
	[sflag:s22] =	ssyncset.done $0x0  }
0xa1: {  	[sflag:s22] =	ssyncadd.s32 s5;
	_ =	sdelay $0x1  }
0xa2: {  	s23 =	simm.s32 $0x1B8B  }
0xa3: {  	_ =	swait.ge [sflag:s23], $0x1  }
0xa4: {  	[sflag:s23] =	ssyncset.done $0x0  }
0xa5: {  	s25 =	simm.s32 $0x1B8E;
	s24 =	sld [smem:$0x3FFE];
	[sflag:s23] =	ssyncadd.s32 $0xFFFFFFFF  }
0xa6: {  	s26 =	simm.s32 $execute0_lowered;
	[smem:$0x3FD2] =	sst s25  }
0xa7: {  	s6 =	sshll.u32 s26, $0x1;
	_ =	strace $0x80000046;
	[dreg:$0x1] =	wrdreg $0xFFFFFFFF  }
0xa8: {  	s28 =	simm.s32 $_size_execute0_lowered;
	s4 =	sadd.s32 s4, s6;
	[dreg:$0x0] =	wrdreg $0x0  }
0xa9: {  	s6 =	sshll.u32 s28, $0x1;
	[dreg:$0x2] =	wrdreg s4  }
0xaa: {  	[dreg:$0x3] =	wrdreg s6  }
0xab: {  	[dreg:$0x4] =	wrdreg $0xC0  }
0xac: {  	_ =	task [dreg:s8], $0x5FFFF  }
0xad: {  	[dreg:$0x1] =	wrdreg $0xFFFFFFFF  }
0xae: {  	[dreg:$0x0] =	wrdreg $0x60  }
0xaf: {  	[dreg:$0x2] =	wrdreg s24  }
0xb0: {  	[dreg:$0x3] =	wrdreg s2  }
0xb1: {  	[dreg:$0x4] =	wrdreg s18  }
0xb2: {  	[dreg:$0x5] =	wrdreg $0x9  }
0xb3: {  	_ =	task.clear_ibuf [dreg:s8], $0x6FFFF;
	_ =	strace $0x90000046  }
0xb4: {  	s29 =	simm.s32 $0x9;
	_ =	strace $0x80000048  }
0xb5: {  	_ =	swait.ge [sflag:s29], $0x1  }
0xb6: {  	[sflag:s29] =	ssyncadd.s32 $0xFFFFFFFF  }
0xb7: {  	_ =	strace $0x90000048  }
0xb8: {  	_ =	sfence  }
0xb9: {  	s30 =	sld [smem:$0x0];
	_ =	sdelay $0x2  }
0xba: {  	s31 =	sshll.u32 s1, $0xD;
	s1 =	sshrl.u32 s1, $0x2  }
0xbb: {  	s3 =	sand.u32 $0x4000, s31;
	s1 =	sadd.s32 s1, s30  }
0xbc: {  	s0 =	sor.u32 s3, s0;
	s1 =	sshll.u32 s1, $0x11  }
0xbd: {  	s0 =	sor.u32 s1, s0  }
0xbe: {  	s0 =	sadd.s32 $0x8F2B, s0  }
0xbf: {  	[sflag:s0] =	ssyncadd.remote.s32 $0x1  }
0xc0: {  	_ =	sfence.sel $0xFFFF  }
0xc1: {  	[dreg:$0x0] =	wrdreg $0xFFFFFFFF;
	(pc) =	sbr.abs _section_cstart, $3  }
0xc2: {  	[dreg:$0x1] =	wrdreg $0xFFFFFFFF  }
0xc3: {  	_ =	task.clear_ibuf [dreg:s8], $0x2FFFF;
	_ =	strace $0x9FFFFFFF  }
0xc4: {  	(tm) =	ssettm $0x7FFFFFFF  }
0xc5: {  	_ =	shalt  }
tec
execute0_lowered:
.L_overlay_start_1:
0x0: {  	(tag) =	ssettag $0x1  }
0x1: {  	v0 =	vlaneseq.u32;
	s5 =	rddreg [dreg:$0x0]  }
0x2: {  	s1 =	rddreg [dreg:$0x1];
	s4 =	simm.s32 $0x0;
	v25 =	vmul.u32 $0x88, v0  }
0x3: {  	vm0 =	vcmask $0x300;
	v0 =	vimm.s32 $0x0;
	[smem:$0x7FF] =	sst s4  }
0x4: {  	s3 =	rddreg [dreg:$0x2];
	v1 =	vsel vm0, $0x3, v0;
	_ =	strace $0x80000047;
	v0 =	vadd.s32 $0x1983, v25;
	[tilespmem:$0x1FFB0] =	vst v25  }
0x5: {  	v40 =	vadd.s32 $0x1100, v25;
	[tilespmem:$0x1FE10] =	vst v0  }
0x6: {  	v2 =	vadd.s32 $0x1980, v25;
	[tilespmem:$0x1FE90] =	vst v40  }
0x7: {  	v3 =	vadd.s32 $0x1982, v25;
	[tilespmem:$0x1FEA0] =	vst v2  }
0x8: {  	v19 =	vadd.s32 $0x882, v25;
	[tilespmem:$0x1FEB0] =	vst v3  }
0x9: {  	v18 =	vor.u32 $0x3, v25;
	[tilespmem:$0x1FEC0] =	vst v19  }
0xa: {  	v20 =	vadd.s32 $0x883, v25;
	[tilespmem:$0x1FED0] =	vst v18  }
0xb: {  	v21 =	vadd.s32 $0x1103, v25;
	[tilespmem:$0x1FEE0] =	vst v20  }
0xc: {  	v23 =	vadd.s32 $0x1981, v25;
	[tilespmem:$0x1FEF0] =	vst v21  }
0xd: {  	v57 =	vor.u32 $0x4, v25;
	[tilespmem:$0x1FF00] =	vst v23  }
0xe: {  	v24 =	vor.u32 $0x2, v25;
	[tilespmem:$0x1FF10] =	vst v57  }
0xf: {  	v30 =	vor.u32 $0x5, v25;
	[tilespmem:$0x1FF20] =	vst v24  }
0x10: {  	v29 =	vadd.s32 $0x885, v25;
	[tilespmem:$0x1FF30] =	vst v30  }
0x11: {  	v31 =	vadd.s32 $0x1105, v25;
	[tilespmem:$0x1FF40] =	vst v29  }
0x12: {  	v32 =	vor.u32 $0x6, v25;
	[tilespmem:$0x1FF50] =	vst v31  }
0x13: {  	v50 =	vadd.s32 $0x886, v25;
	[tilespmem:$0x1FF60] =	vst v32  }
0x14: {  	v51 =	vadd.s32 $0x1106, v25;
	[tilespmem:$0x1FF70] =	vst v50  }
0x15: {  	v60 =	vadd.s32 $0x1101, v25;
	[tilespmem:$0x1FF80] =	vst v51  }
0x16: {  	v26 =	vadd.s32 $0x880, v25;
	[tilespmem:$0x1FF90] =	vst v60  }
0x17: {  	v49 =	vadd.s32 $0x1104, v25;
	[tilespmem:$0x1FFA0] =	vst v26  }
0x18: {  	v61 =	vadd.s32 $0x881, v25;
	[tilespmem:$0x1FFC0] =	vst v49  }
0x19: {  	v28 =	vadd.s32 $0x884, v25;
	[tilespmem:$0x1FFD0] =	vst v61  }
0x1a: {  	s2 =	srdreg.scid;
	s0 =	stileid.u32;
	s10 =	simm.s32 $0x1000;
	v27 =	vor.u32 $0x1, v25;
	[tilespmem:$0x1FFE0] =	vst v28  }
0x1b: {  	s11 =	simm.s32 $0x5;
	s12 =	simm.s32 $0x6400;
	s13 =	simm.s32 $0x9600;
	v0 =	vadd.s32 $0x1984, v25;
	[tilespmem:$0x1FFF0] =	vst v27  }
0x1c: {  	s14 =	simm.s32 $0xD600;
	s15 =	simm.s32 $0x1;
	s16 =	simm.s32 $0x11600;
	[tilespmem:$0x1FE20] =	vst v0;
	v0 =	vadd.s32 $0x1985, v25  }
0x1d: {  	s17 =	simm.s32 $0x2;
	s18 =	simm.s32 $0x4;
	s19 =	simm.s32 $0x13800;
	[tilespmem:$0x1FE30] =	vst v0;
	v0 =	vadd.s32 $0x1986, v25  }
0x1e: {  	s20 =	simm.s32 $0x3;
	s6 =	sand.u32 $0x1, s2;
	s7 =	sshll.u32 s0, $0x1;
	[tilespmem:$0x1FE40] =	vst v0;
	v0 =	vor.u32 $0x7, v25  }
0x1f: {  	s21 =	simm.s32 $0x0;
	s7 =	sor.u32 s6, s7;
	s6 =	ssub.s32 $0x2, s6;
	[tilespmem:$0x1FE50] =	vst v0;
	v0 =	vadd.s32 $0x887, v25  }
0x20: {  	s8 =	sshll.u32 s7, $0x4;
	s9 =	sshrl.u32 s6, $0x1;
	s7 =	sshll.u32 s7, $0xA;
	[tilespmem:$0x1FE60] =	vst v0;
	v0 =	vadd.s32 $0x1107, v25  }
0x21: {  	s8 =	sadd.s32 s8, s5;
	s5 =	sadd.s32 $0x400, s5;
	s9 =	ssub.s32 s6, s9;
	[tilespmem:$0x1FE70] =	vst v0;
	v0 =	vadd.s32 $0x1987, v25  }
0x22: {  	v22 =	vadd.s32 $0x1102, v25;
	s6 =	sadd.s32 $0xC00, s8;
	s8 =	smax.u32 s9, $0x1;
	s9 =	simm.s32 $0x80;
	[tilespmem:$0x1FE80] =	vst v0  }
.LBB2_1:
0x23: {  	[tilespmem:s4], [sflag:$0x5] =	stream.strided.gather [hbm4b:s6+s9], $0x6400, s10, s9, $0x38;
	[tilespmem:$0x15A00] =	vst v63  }
0x24: {  	_ =	swait.ge [sflag:s11], $0x6400  }
0x25: {  	[sflag:s11] =	ssyncset.done $0x0  }
0x26: {  	[sflag:s11] =	ssyncadd.s32 $0xFFFF9C00  }
0x27: {  	[tilespmem:s12], [sflag:$0x5] =	stream.linear.gather [hbm4b:s5+s4], $0x3200, $0x38;
	[tilespmem:$0x15A00] =	vst v63  }
0x28: {  	_ =	swait.ge [sflag:s11], $0x3200  }
0x29: {  	[sflag:s11] =	ssyncset.done $0x0  }
0x2a: {  	s22 =	simm.s32 $0x0;
	[sflag:s11] =	ssyncadd.s32 $0xFFFFCE00  }
0x2b: {  	[tilespmem:s13], [sflag:$0x1] =	stream.indirect.gather [hbm4b:s1+s9], $0x80, s4, s9, $0xb8;
	[tilespmem:$0x15A00] =	vst v63  }
.LBB2_2:
0x2c: {  	s23 =	sshllo.u32 s22, $0x1  }
0x2d: {  	s24 =	sshll.u32 s23, $0x7  }
0x2e: {  	s24 =	sand.u32 $0x3FFFFF80, s24  }
0x2f: {  	[tilespmem:s14], [sflag:$0x2] =	stream.indirect.gather [hbm4b:s1+s9], $0x80, s24, s9, $0xb8;
	[tilespmem:$0x15A00] =	vst v63  }
0x30: {  	_ =	swait.ge [sflag:s15], $0x4000  }
0x31: {  	p0 =	seq.s32 s22, $0x0;
	[sflag:s15] =	ssyncset.done $0x0  }
0x32: {  	s24 =	simm.s32 @!p0 $0x3;
	[sflag:s15] =	ssyncadd.s32 $0xFFFFC000  }
0x33: {  	s31 =	sshll.u32 s22, $0x7;
	s25 =	simm.s32 $0x0;
	_ =	swait.ge @!p0 [sflag:s24], $0x2000  }
0x34: {  	s26 =	simm.s32 $0x7;
	s2 =	simm.s32 $0x1;
	[sflag:s24] =	ssyncset.done @!p0 $0x0  }
0x35: {  	s29 =	simm.s32 $0x2;
	v0 =	vmov s25;
	v5 =	vmov s2;
	[sflag:s24] =	ssyncadd.s32 @!p0 $0xFFFFE000;
	s24 =	sand.u32 $0x3FFFFF80, s31  }
0x36: {  	s0 =	simm.s32 $0x4;
	v2 =	vmov s26;
	v6 =	vmov s29;
	v5 =	vshrl.u32 v5, $0x3;
	v36 =	vld [tilespmem:s24+$0x6400]  }
0x37: {  	v3 =	vmov s0;
	s25 =	simm.s32 $0x9800;
	v6 =	vshrl.u32 v6, $0x3;
	v5 =	vshll.u32 v5, v1;
	v35 =	vld [tilespmem:s24+$0x6410]  }
0x38: {  	v3 =	vshrl.u32 v3, $0x3;
	v6 =	vshll.u32 v6, v1;
	v5 =	vbroadcast v5, $0x0;
	v8 =	vld [tilespmem:s25+$0xFFFFFE80]  }
0x39: {  	s26 =	simm.s32 $0x3;
	v0 =	vshrl.u32 v0, $0x3;
	v3 =	vshll.u32 v3, v1;
	v37 =	vbroadcast v6, $0x0;
	v9 =	vld [tilespmem:s25+$0xFFFFFF00]  }
0x3a: {  	v44 =	vbroadcast v3, $0x0;
	v3 =	vmov s26;
	v10 =	vadd.s32 v27, v5;
	v34 =	vld [tilespmem:s24+$0x6420]  }
0x3b: {  	s28 =	simm.s32 $0x5;
	v3 =	vshrl.u32 v3, $0x3;
	v11 =	vadd.s32 v23, v5;
	v12 =	vadd.s32 v24, v37;
	v7 =	vld [tilespmem:s25+$0x0]  }
0x3c: {  	v4 =	vmov s28;
	v17 =	vshll.u32 v0, v1;
	v3 =	vshll.u32 v3, v1;
	v33 =	vld [tilespmem:s24+$0x6430];
	[tilespmem:$0x1FDC0] =	vst v11  }
0x3d: {  	v6 =	vadd.s32 v57, v44;
	v56 =	vbroadcast v3, $0x0;
	v11 =	vld [tilespmem:s25+$0xFFFFFF80];
	v0 =	vadd.f32 v8, v36  }
0x3e: {  	v4 =	vshrl.u32 v4, $0x3;
	v3 =	vld [tilespmem:s25+$0xFFFFFE00];
	v9 =	vadd.f32 v9, v36  }
0x3f: {  	s29 =	simm.s32 $0x6;
	v4 =	vshll.u32 v4, v1;
	v15 =	vadd.s32 v18, v56;
	v13 =	vld [tilespmem:s25+$0x180];
	[tilespmem:v10+s16+$0x0] =	vst.idx.msk $0xffff, v0  }
0x40: {  	v14 =	vmov s29;
	v55 =	vbroadcast v4, $0x0;
	v7 =	vadd.f32 v7, v36;
	[tilespmem:v12+s16+$0x0] =	vst.idx.msk $0xffff, v9;
	v4 =	vld [tilespmem:s25+$0xFFFFFE90]  }
0x41: {  	v8 =	vshrl.u32 v14, $0x3;
	v10 =	vld [tilespmem:s25+$0xFFFFFF10]  }
0x42: {  	v16 =	vld [tilespmem:s25+$0x100];
	v8 =	vshll.u32 v8, v1;
	[tilespmem:v6+s16+$0x0] =	vst.idx.msk $0xffff, v7;
	v7 =	vadd.f32 v11, v36  }
0x43: {  	v54 =	vbroadcast v17, $0x0;
	v17 =	vadd.s32 v19, v37;
	v14 =	vld [tilespmem:s25+$0x80];
	v52 =	vbroadcast v8, $0x0  }
0x44: {  	v2 =	vshrl.u32 v2, $0x3;
	v0 =	vadd.s32 v29, v55;
	v6 =	vld [tilespmem:s25+$0x10];
	[tilespmem:v15+s16+$0x0] =	vst.idx.msk $0xffff, v7  }
0x45: {  	v8 =	vadd.f32 v13, v36;
	v7 =	vadd.s32 v32, v52;
	[tilespmem:$0x1FDB0] =	vst v0;
	v58 =	vld [tilespmem:$0x1FE50];
	v0 =	vadd.s32 v21, v56  }
0x46: {  	v13 =	vld [tilespmem:s25+$0xFFFFFF90];
	[tilespmem:$0x1FDD0] =	vst v0;
	v0 =	vadd.s32 v31, v55;
	v38 =	vadd.f32 v4, v35;
	v4 =	vadd.f32 v10, v35  }
0x47: {  	s28 =	simm.s32 $0xF;
	v2 =	vshll.u32 v2, v1;
	v41 =	vadd.s32 v25, v54;
	v46 =	vadd.s32 v26, v54;
	v19 =	vld [tilespmem:$0x1FE60];
	[tilespmem:$0x1FDF0] =	vst v0  }
0x48: {  	v53 =	vmov s28;
	v43 =	vadd.s32 v20, v56;
	s24 =	simm.s32 $0x9C00;
	v20 =	vld [tilespmem:$0x1FE70];
	v0 =	vadd.s32 v51, v52;
	[tilespmem:v17+s16+$0x0] =	vst.idx.msk $0xffff, v4  }
0x49: {  	s31 =	simm.s32 $0x9;
	v16 =	vadd.f32 v16, v36;
	v9 =	vadd.s32 v61, v5;
	v48 =	vld [tilespmem:s24+$0xFFFFFE80];
	[tilespmem:$0x1FDE0] =	vst v0;
	v0 =	vadd.s32 v40, v54  }
0x4a: {  	v39 =	vadd.s32 v30, v55;
	v59 =	vmov s31;
	v12 =	vbroadcast v2, $0x0;
	[tilespmem:$0x1FE00] =	vst v0  }
0x4b: {  	v45 =	vadd.s32 v60, v5;
	v59 =	vshrl.u32 v59, $0x3;
	v11 =	vadd.s32 v28, v44;
	[tilespmem:v7+s16+$0x0] =	vst.idx.msk $0xffff, v16  }
0x4c: {  	s28 =	simm.s32 $0xA;
	v47 =	vadd.s32 v22, v37;
	v63 =	vshll.u32 v59, v1;
	v15 =	vadd.s32 v58, v12;
	v59 =	vld [tilespmem:s25+$0x110]  }
0x4d: {  	s0 =	simm.s32 $0xC;
	v42 =	vadd.s32 v50, v52;
	v14 =	vadd.f32 v14, v36;
	v40 =	vld [tilespmem:s25+$0xFFFFFF20];
	v16 =	vmov s28  }
0x4e: {  	v26 =	vmovc v51;
	v18 =	vmovc v21;
	v6 =	vadd.f32 v6, v35;
	v7 =	vmov s0;
	[tilespmem:v9+s16+$0x0] =	vst.idx.msk $0xffff, v38;
	v16 =	vshrl.u32 v16, $0x3  }
0x4f: {  	v21 =	vmovc v60;
	v51 =	vbroadcast v63, $0x0;
	[tilespmem:v39+s16+$0x0] =	vst.idx.msk $0xffff, v14;
	v7 =	vshrl.u32 v7, $0x3;
	v14 =	vshll.u32 v16, v1  }
0x50: {  	v13 =	vadd.f32 v13, v35;
	[tilespmem:v11+s16+$0x0] =	vst.idx.msk $0xffff, v6;
	v16 =	vld [tilespmem:s25+$0xFFFFFEA0];
	v7 =	vshll.u32 v7, v1;
	v39 =	vbroadcast v14, $0x0  }
0x51: {  	v60 =	vld [tilespmem:s24+$0xFFFFFF00];
	[tilespmem:v15+s16+$0x0] =	vst.idx.msk $0xffff, v8;
	v14 =	vshrl.u32 v53, $0x3;
	v53 =	vadd.s32 v27, v51;
	v15 =	vadd.f32 v59, v35  }
0x52: {  	v3 =	vadd.f32 v3, v36;
	v62 =	vld [tilespmem:s24+$0x0];
	[tilespmem:v43+s16+$0x0] =	vst.idx.msk $0xffff, v13;
	v11 =	vadd.f32 v40, v34;
	v40 =	vbroadcast v7, $0x0  }
0x53: {  	v63 =	vadd.s32 v24, v39;
	[tilespmem:v42+s16+$0x0] =	vst.idx.msk $0xffff, v15;
	v42 =	vld [tilespmem:s25+$0x190]  }
0x54: {  	v0 =	vadd.f32 v48, v36;
	[tilespmem:v41+s16+$0x0] =	vst.idx.msk $0xffff, v3;
	v8 =	vadd.s32 v57, v40  }
0x55: {  	v10 =	vadd.s32 v19, v12;
	[tilespmem:v47+s16+$0x0] =	vst.idx.msk $0xffff, v11;
	v16 =	vadd.f32 v16, v34  }
0x56: {  	v3 =	vadd.f32 v60, v36;
	[tilespmem:v53+s16+$0x0] =	vst.idx.msk $0xffff, v0  }
0x57: {  	v59 =	vadd.f32 v62, v36;
	[tilespmem:v45+s16+$0x0] =	vst.idx.msk $0xffff, v16  }
0x58: {  	[tilespmem:v63+s16+$0x0] =	vst.idx.msk $0xffff, v3;
	v3 =	vadd.f32 v42, v35  }
0x59: {  	v7 =	vld [tilespmem:s24+$0xFFFFFE00];
	[tilespmem:v8+s16+$0x0] =	vst.idx.msk $0xffff, v59  }
0x5a: {  	s30 =	simm.s32 $0x8;
	v0 =	vld [tilespmem:$0x1FED0];
	[tilespmem:v10+s16+$0x0] =	vst.idx.msk $0xffff, v3  }
0x5b: {  	s31 =	simm.s32 $0xE;
	v17 =	vadd.s32 v49, v44;
	v49 =	vmov s30;
	s30 =	simm.s32 $0xB;
	v8 =	vld [tilespmem:$0x1FDB0]  }
0x5c: {  	v13 =	vshrl.u32 v49, $0x3;
	v49 =	vmov s30;
	v6 =	vld [tilespmem:s25+$0x90];
	v15 =	vmov s31  }
0x5d: {  	v43 =	vshrl.u32 v49, $0x3;
	v16 =	vld [tilespmem:s25+$0x20];
	v15 =	vshrl.u32 v15, $0x3  }
0x5e: {  	v60 =	vld [tilespmem:s25+$0xFFFFFE10];
	v48 =	vadd.f32 v7, v36;
	v7 =	vshll.u32 v15, v1;
	v15 =	vshll.u32 v43, v1  }
0x5f: {  	v62 =	vld [tilespmem:s24+$0xFFFFFF80];
	v43 =	vbroadcast v15, $0x0;
	_ =	sdelay $0x1  }
0x60: {  	v6 =	vadd.f32 v6, v35;
	v0 =	vadd.s32 v0, v43  }
0x61: {  	v4 =	vld [tilespmem:s24+$0x100];
	v3 =	vadd.f32 v16, v34  }
0x62: {  	[tilespmem:v8+s16+$0x0] =	vst.idx.msk $0xffff, v6;
	v8 =	vadd.f32 v60, v35  }
0x63: {  	v10 =	vadd.f32 v62, v36;
	v16 =	vld [tilespmem:$0x1FE20];
	[tilespmem:v17+s16+$0x0] =	vst.idx.msk $0xffff, v3  }
0x64: {  	[tilespmem:v46+s16+$0x0] =	vst.idx.msk $0xffff, v8  }
0x65: {  	v3 =	vld [tilespmem:$0x1FEC0];
	[tilespmem:v0+s16+$0x0] =	vst.idx.msk $0xffff, v10  }
0x66: {  	v8 =	vadd.f32 v4, v36;
	v4 =	vld [tilespmem:$0x1FE30];
	_ =	sdelay $0x3  }
0x67: {  	v6 =	vld [tilespmem:s25+$0x1A0]  }
0x68: {  	v60 =	vadd.s32 v4, v55;
	v4 =	vld [tilespmem:$0x1FDC0]  }
0x69: {  	v41 =	vbroadcast v7, $0x0;
	v7 =	vld [tilespmem:s25+$0xFFFFFEB0]  }
0x6a: {  	v5 =	vadd.s32 v20, v12;
	_ =	sdelay $0x2  }
0x6b: {  	v6 =	vadd.f32 v6, v34  }
0x6c: {  	v7 =	vadd.f32 v7, v33  }
0x6d: {  	v57 =	vld [tilespmem:s24+$0x180];
	[tilespmem:v5+s16+$0x0] =	vst.idx.msk $0xffff, v6  }
0x6e: {  	v2 =	vld [tilespmem:s25+$0xFFFFFF30];
	[tilespmem:v4+s16+$0x0] =	vst.idx.msk $0xffff, v7  }
0x6f: {  	v14 =	vshll.u32 v14, v1;
	v6 =	vld [tilespmem:$0x1FDD0]  }
0x70: {  	v45 =	vbroadcast v14, $0x0;
	v14 =	vld [tilespmem:s25+$0xFFFFFFA0];
	_ =	sdelay $0x1  }
0x71: {  	s2 =	simm.s32 $0xD  }
0x72: {  	v9 =	vmov s2  }
0x73: {  	v9 =	vshrl.u32 v9, $0x3;
	v49 =	vadd.f32 v57, v36  }
0x74: {  	v57 =	vadd.s32 v61, v51;
	v61 =	vadd.f32 v2, v33;
	v2 =	vadd.f32 v14, v34  }
0x75: {  	v9 =	vshll.u32 v9, v1;
	v11 =	vld [tilespmem:s24+$0x80]  }
0x76: {  	v42 =	vbroadcast v9, $0x0;
	v9 =	vld [tilespmem:s25+$0x120];
	[tilespmem:v6+s16+$0x0] =	vst.idx.msk $0xffff, v2  }
0x77: {  	v2 =	vld [tilespmem:$0x1FE10];
	_ =	sdelay $0x4  }
0x78: {  	v62 =	vadd.f32 v11, v36;
	v11 =	vadd.f32 v9, v34;
	v9 =	vadd.s32 v2, v56;
	v2 =	vld [tilespmem:$0x1FEE0];
	_ =	sdelay $0x3  }
0x79: {  	v63 =	vmov v50  }
0x7a: {  	v53 =	vadd.s32 v58, v45;
	v58 =	vadd.s32 v63, v41;
	v63 =	vadd.s32 v2, v43;
	v2 =	vld [tilespmem:$0x1FDE0];
	_ =	sdelay $0x7  }
0x7b: {  	[tilespmem:v2+s16+$0x0] =	vst.idx.msk $0xffff, v11  }
0x7c: {  	v6 =	vld [tilespmem:$0x1FE80];
	_ =	sdelay $0x4  }
0x7d: {  	v11 =	vadd.s32 v6, v12;
	v6 =	vld [tilespmem:$0x1FDF0]  }
0x7e: {  	v0 =	vld [tilespmem:s25+$0xA0];
	_ =	sdelay $0x4  }
0x7f: {  	v15 =	vld [tilespmem:s24+$0x10];
	v0 =	vadd.f32 v0, v34  }
0x80: {  	v17 =	vld [tilespmem:s24+$0xFFFFFE90]  }
0x81: {  	v10 =	vld [tilespmem:s25+$0x30];
	[tilespmem:v6+s16+$0x0] =	vst.idx.msk $0xffff, v0  }
0x82: {  	v0 =	vld [tilespmem:$0x1FE40];
	_ =	sdelay $0x1  }
0x83: {  	v5 =	vld [tilespmem:s24+$0xFFFFFF90]  }
0x84: {  	v13 =	vshll.u32 v13, v1;
	v50 =	vadd.s32 v28, v40;
	v7 =	vld [tilespmem:s24+$0xFFFFFF10]  }
0x85: {  	v16 =	vadd.s32 v16, v44;
	v44 =	vbroadcast v13, $0x0;
	v4 =	vadd.f32 v17, v35;
	v17 =	vld [tilespmem:s25+$0xFFFFFE20]  }
0x86: {  	v13 =	vadd.f32 v15, v35;
	v15 =	vadd.f32 v10, v33;
	v10 =	vadd.s32 v0, v52;
	v0 =	vld [tilespmem:$0x1FEA0]  }
0x87: {  	v2 =	vld [tilespmem:s25+$0x1B0];
	_ =	sdelay $0x2  }
0x88: {  	v14 =	vadd.f32 v7, v35;
	[tilespmem:v16+s16+$0x0] =	vst.idx.msk $0xffff, v15  }
0x89: {  	v6 =	vadd.f32 v5, v35;
	v5 =	vadd.s32 v0, v54;
	v0 =	vld [tilespmem:$0x1FFA0];
	[tilespmem:v50+s16+$0x0] =	vst.idx.msk $0xffff, v13  }
0x8a: {  	v7 =	vadd.f32 v17, v34;
	v17 =	vadd.f32 v2, v33;
	v2 =	vld [tilespmem:$0x1FE00];
	_ =	sdelay $0x3  }
0x8b: {  	v38 =	vadd.s32 v23, v51  }
0x8c: {  	v59 =	vadd.s32 v32, v41;
	v47 =	vadd.s32 v29, v42;
	v46 =	vadd.s32 v18, v43  }
0x8d: {  	v3 =	vadd.s32 v3, v39;
	v55 =	vadd.s32 v25, v44;
	v56 =	vadd.s32 v19, v45;
	v12 =	vld [tilespmem:s25+$0x130]  }
0x8e: {  	v15 =	vld [tilespmem:s25+$0xFFFFFFB0];
	v16 =	vadd.s32 v30, v42;
	v52 =	vadd.s32 v20, v45;
	[tilespmem:v57+s16+$0x0] =	vst.idx.msk $0xffff, v4  }
0x8f: {  	v27 =	vmov v31;
	v50 =	vadd.s32 v31, v42;
	v4 =	vadd.s32 v22, v39;
	[tilespmem:v2+s16+$0x0] =	vst.idx.msk $0xffff, v7;
	v2 =	vld [tilespmem:s25+$0xB0]  }
0x90: {  	s26 =	simm.s32 $0x10;
	s28 =	simm.s32 $0xA000;
	v31 =	vmovc v30;
	v54 =	vadd.s32 v0, v44;
	v0 =	vadd.s32 v21, v51;
	v51 =	vadd.s32 v26, v41;
	v13 =	vld [tilespmem:s25+$0xFFFFFE30]  }
.LBB2_3:
0x91: {  	v18 =	vld [tilespmem:s28+$0xFFFFFE80]  }
0x92: {  	v7 =	vld [tilespmem:$0x1FE90]  }
0x93: {  	v21 =	vld [tilespmem:$0x1FEB0]  }
0x94: {  	v26 =	vld [tilespmem:$0x1FE50];
	[tilespmem:v59+s16+$0x0] =	vst.idx.msk $0xffff, v8  }
0x95: {  	s30 =	smov.u32 s26;
	[tilespmem:v3+s16+$0x0] =	vst.idx.msk $0xffff, v14;
	v8 =	vld [tilespmem:s28+$0x100]  }
0x96: {  	[tilespmem:v16+s16+$0x0] =	vst.idx.msk $0xffff, v62;
	s0 =	sadd.s32 $0x2, s30;
	v20 =	vld [tilespmem:s24+$0xFFFFFF20]  }
0x97: {  	v30 =	vmov v22;
	[tilespmem:v11+s16+$0x0] =	vst.idx.msk $0xffff, v17;
	v17 =	vmov s0;
	v22 =	vld [tilespmem:s28+$0xFFFFFF00];
	v3 =	vadd.f32 v15, v33  }
0x98: {  	v16 =	vshrl.u32 v17, $0x3;
	v17 =	vld [tilespmem:s24+$0x90];
	v12 =	vadd.f32 v12, v33  }
0x99: {  	s29 =	sadd.s32 $0x7, s26;
	s31 =	sadd.s32 $0x4, s30;
	v13 =	vadd.f32 v13, v33;
	[tilespmem:v9+s16+$0x0] =	vst.idx.msk $0xffff, v3;
	v9 =	vshll.u32 v16, v1;
	v16 =	vld [tilespmem:s24+$0x110]  }
0x9a: {  	v19 =	vmov s29;
	s29 =	sadd.s32 $0x1, s30;
	v14 =	vmov s31;
	v21 =	vadd.s32 v21, v37;
	[tilespmem:v10+s16+$0x0] =	vst.idx.msk $0xffff, v12;
	v12 =	vld [tilespmem:s24+$0xFFFFFEA0]  }
0x9b: {  	v11 =	vmov s29;
	v10 =	vshrl.u32 v14, $0x3;
	v14 =	vld [tilespmem:$0x1FFF0];
	[tilespmem:v5+s16+$0x0] =	vst.idx.msk $0xffff, v13  }
0x9c: {  	v11 =	vshrl.u32 v11, $0x3;
	v3 =	vadd.f32 v2, v33;
	[tilespmem:v63+s16+$0x0] =	vst.idx.msk $0xffff, v6;
	v6 =	vld [tilespmem:$0x1FF10]  }
0x9d: {  	v37 =	vmov v39;
	v2 =	vshll.u32 v11, v1;
	v39 =	vbroadcast v9, $0x0;
	v5 =	vld [tilespmem:s28+$0xFFFFFE00];
	[tilespmem:v55+s16+$0x0] =	vst.idx.msk $0xffff, v48  }
0x9e: {  	v57 =	vadd.s32 v7, v44;
	v7 =	vld [tilespmem:$0x1FFC0];
	v2 =	vbroadcast v2, $0x0;
	[tilespmem:v60+s16+$0x0] =	vst.idx.msk $0xffff, v3;
	v3 =	vshll.u32 v10, v1  }
0x9f: {  	v10 =	vadd.f32 v20, v34;
	v20 =	vld [tilespmem:s28+$0x0];
	v3 =	vbroadcast v3, $0x0;
	[tilespmem:v21+s16+$0x0] =	vst.idx.msk $0xffff, v61;
	v21 =	vadd.s32 v24, v39  }
0xa0: {  	v61 =	vld [tilespmem:s28+$0x180];
	[tilespmem:v53+s16+$0x0] =	vst.idx.msk $0xffff, v49;
	v14 =	vadd.s32 v14, v2;
	v12 =	vadd.f32 v12, v34  }
0xa1: {  	v11 =	vshrl.u32 v19, $0x3;
	v60 =	vld [tilespmem:s24+$0x20];
	v16 =	vadd.f32 v16, v35;
	[tilespmem:v4+s16+$0x0] =	vst.idx.msk $0xffff, v10;
	v6 =	vadd.s32 v6, v3  }
0xa2: {  	v11 =	vshll.u32 v11, v1;
	v9 =	vld [tilespmem:s28+$0x80];
	[tilespmem:v0+s16+$0x0] =	vst.idx.msk $0xffff, v12;
	v12 =	vadd.f32 v22, v36  }
0xa3: {  	v7 =	vadd.s32 v7, v40;
	v4 =	vadd.f32 v18, v36;
	[tilespmem:v58+s16+$0x0] =	vst.idx.msk $0xffff, v16;
	v0 =	vld [tilespmem:s24+$0xFFFFFF30]  }
0xa4: {  	v20 =	vadd.f32 v20, v36;
	v22 =	vld [tilespmem:s24+$0xFFFFFEB0];
	[tilespmem:v21+s16+$0x0] =	vst.idx.msk $0xffff, v12;
	v21 =	vbroadcast v11, $0x0  }
0xa5: {  	s2 =	sadd.s32 $0x5, s30;
	v17 =	vadd.f32 v17, v35;
	[tilespmem:v14+s16+$0x0] =	vst.idx.msk $0xffff, v4;
	v14 =	vld [tilespmem:$0x1FE20]  }
0xa6: {  	v15 =	vmov s2;
	v58 =	vadd.f32 v60, v34;
	[tilespmem:v6+s16+$0x0] =	vst.idx.msk $0xffff, v20;
	v53 =	vadd.s32 v26, v21;
	v26 =	vld [tilespmem:$0x1FE30]  }
0xa7: {  	v15 =	vshrl.u32 v15, $0x3;
	[tilespmem:v47+s16+$0x0] =	vst.idx.msk $0xffff, v17;
	v12 =	vld [tilespmem:s28+$0x10]  }
0xa8: {  	v15 =	vshll.u32 v15, v1;
	[tilespmem:v7+s16+$0x0] =	vst.idx.msk $0xffff, v58;
	v7 =	vld [tilespmem:s24+$0xA0]  }
0xa9: {  	v55 =	vld [tilespmem:s24+$0xFFFFFE10];
	v6 =	vbroadcast v15, $0x0  }
0xaa: {  	v15 =	vld [tilespmem:s24+$0x120]  }
0xab: {  	v10 =	vld [tilespmem:s28+$0xFFFFFF80];
	v11 =	vadd.s32 v29, v6;
	v60 =	vadd.s32 v26, v42;
	v42 =	vmovc v6;
	v6 =	vadd.f32 v22, v33  }
0xac: {  	v59 =	vmov s30;
	s25 =	sadd.s32 $0x6, s30;
	v24 =	vadd.s32 v14, v40;
	v14 =	vld [tilespmem:s28+$0xFFFFFE90]  }
0xad: {  	s30 =	sadd.s32 $0x3, s30;
	v13 =	vshrl.u32 v59, $0x3;
	v18 =	vmov s25;
	[tilespmem:v38+s16+$0x0] =	vst.idx.msk $0xffff, v6;
	v6 =	vadd.f32 v7, v34;
	v7 =	vld [tilespmem:$0x1FF70]  }
0xae: {  	v59 =	vmov s30;
	v18 =	vshrl.u32 v18, $0x3;
	v16 =	vld [tilespmem:s24+$0x190];
	v49 =	vadd.f32 v61, v36  }
0xaf: {  	v18 =	vshll.u32 v18, v1;
	v61 =	vadd.f32 v0, v33;
	v47 =	vmovc v11;
	v11 =	vld [tilespmem:s24+$0x30];
	v0 =	vadd.f32 v15, v34  }
0xb0: {  	v19 =	vadd.s32 v23, v2;
	v23 =	vadd.s32 v28, v3;
	v18 =	vbroadcast v18, $0x0;
	v40 =	vmovc v3;
	v3 =	vld [tilespmem:$0x1FED0]  }
0xb1: {  	v59 =	vshrl.u32 v59, $0x3;
	v5 =	vadd.f32 v5, v36;
	[tilespmem:v51+s16+$0x0] =	vst.idx.msk $0xffff, v0;
	v0 =	vld [tilespmem:$0x1FE80]  }
0xb2: {  	v63 =	vshll.u32 v59, v1;
	v58 =	vadd.s32 v7, v18;
	v7 =	vld [tilespmem:$0x1FE10]  }
0xb3: {  	v48 =	vmov v5;
	v5 =	vbroadcast v63, $0x0;
	v16 =	vadd.f32 v16, v35  }
0xb4: {  	v62 =	vadd.f32 v9, v36;
	v9 =	vadd.f32 v55, v35  }
0xb5: {  	v4 =	vadd.f32 v10, v36;
	v10 =	vld [tilespmem:s24+$0xFFFFFFA0];
	[tilespmem:v56+s16+$0x0] =	vst.idx.msk $0xffff, v16;
	v16 =	vadd.s32 v3, v5  }
0xb6: {  	[tilespmem:v54+s16+$0x0] =	vst.idx.msk $0xffff, v9;
	v3 =	vld [tilespmem:$0x1FEF0]  }
0xb7: {  	v9 =	vadd.s32 v7, v43;
	v7 =	vadd.f32 v11, v33;
	v11 =	vadd.s32 v0, v45;
	v0 =	vld [tilespmem:$0x1FE60];
	_ =	sdelay $0x2  }
0xb8: {  	v10 =	vadd.f32 v10, v34;
	[tilespmem:v16+s16+$0x0] =	vst.idx.msk $0xffff, v4  }
0xb9: {  	v56 =	vadd.s32 v3, v5;
	v16 =	vld [tilespmem:s28+$0xFFFFFF90];
	v45 =	vmov v21  }
0xba: {  	[tilespmem:v46+s16+$0x0] =	vst.idx.msk $0xffff, v10;
	v46 =	vmov v56;
	v56 =	vadd.s32 v0, v45;
	v0 =	vld [tilespmem:$0x1FE40];
	_ =	sdelay $0x3  }
0xbb: {  	v43 =	vmov v5;
	v5 =	vld [tilespmem:$0x1FEE0]  }
0xbc: {  	v10 =	vadd.s32 v0, v41;
	v0 =	vld [tilespmem:$0x1FEA0]  }
0xbd: {  	v13 =	vshll.u32 v13, v1  }
0xbe: {  	v13 =	vbroadcast v13, $0x0  }
0xbf: {  	v17 =	vld [tilespmem:s24+$0x1A0]  }
0xc0: {  	v55 =	vadd.s32 v25, v13;
	v26 =	vmov v25;
	v25 =	vadd.f32 v12, v35;
	v12 =	vld [tilespmem:s28+$0xFFFFFF10]  }
0xc1: {  	v63 =	vadd.s32 v5, v43;
	v5 =	vadd.s32 v0, v44;
	v0 =	vld [tilespmem:$0x1FFA0]  }
0xc2: {  	v20 =	vld [tilespmem:$0x1FFD0];
	_ =	sdelay $0x1  }
0xc3: {  	v15 =	vadd.f32 v17, v34  }
0xc4: {  	v22 =	vadd.f32 v14, v35;
	v14 =	vadd.f32 v12, v35;
	v12 =	vld [tilespmem:s24+$0x130];
	v44 =	vmov v13  }
0xc5: {  	v54 =	vadd.s32 v0, v44;
	v0 =	vld [tilespmem:$0x1FF90]  }
0xc6: {  	v20 =	vadd.s32 v20, v2;
	[tilespmem:v52+s16+$0x0] =	vst.idx.msk $0xffff, v15;
	v4 =	vld [tilespmem:s24+$0xFFFFFE20]  }
0xc7: {  	v17 =	vld [tilespmem:s24+$0x1B0]  }
0xc8: {  	v3 =	vld [tilespmem:$0x1FEC0]  }
0xc9: {  	[tilespmem:v24+s16+$0x0] =	vst.idx.msk $0xffff, v7;
	v7 =	vld [tilespmem:$0x1FF80]  }
0xca: {  	p1 =	slt.u32 s26, $0x78;
	[tilespmem:v50+s16+$0x0] =	vst.idx.msk $0xffff, v6;
	v0 =	vadd.s32 v0, v2;
	v2 =	vld [tilespmem:$0x1FE70]  }
.Ltmp0:
0xcb: {  	[tilespmem:v20+s16+$0x0] =	vst.idx.msk $0xffff, v22;
	v15 =	vld [tilespmem:s24+$0xFFFFFFB0];
	v4 =	vadd.f32 v4, v34;
	(pc) =	sbr.rel @p1 .LBB2_3-.Ltmp0, $4  }
0xcc: {  	v8 =	vadd.f32 v8, v36;
	v59 =	vadd.s32 v32, v18;
	v38 =	vmov v19;
	v24 =	vld [tilespmem:$0x1FF20];
	[tilespmem:v23+s16+$0x0] =	vst.idx.msk $0xffff, v25  }
0xcd: {  	v50 =	vadd.s32 v27, v42;
	v22 =	vmov v30;
	v17 =	vadd.f32 v17, v33;
	v23 =	vld [tilespmem:$0x1FF00];
	[tilespmem:v57+s16+$0x0] =	vst.idx.msk $0xffff, v4  }
0xce: {  	v3 =	vadd.s32 v3, v39;
	v6 =	vadd.f32 v16, v35;
	v16 =	vadd.s32 v31, v42;
	v41 =	vmovc v18;
	v13 =	vld [tilespmem:s24+$0xFFFFFE30]  }
0xcf: {  	s26 =	sadd.s32 $0x8, s26;
	v25 =	vmovc v26;
	v4 =	vadd.s32 v30, v39;
	v51 =	vadd.s32 v7, v41;
	v52 =	vadd.s32 v2, v45;
	v2 =	vld [tilespmem:s24+$0xB0];
	s24 =	smov.u32 s28;
	s28 =	sadd.s32 $0x400, s28  }
0xd0: {  	_ =	sdelay $0x1  }
0xd1: {  	v20 =	vld [tilespmem:$0x1FFA0]  }
0xd2: {  	v19 =	vld [tilespmem:$0x1FFD0]  }
0xd3: {  	v18 =	vld [tilespmem:$0x1FFF0];
	[tilespmem:v59+s16+$0x0] =	vst.idx.msk $0xffff, v8  }
0xd4: {  	[tilespmem:v3+s16+$0x0] =	vst.idx.msk $0xffff, v14  }
0xd5: {  	[tilespmem:v53+s16+$0x0] =	vst.idx.msk $0xffff, v49  }
0xd6: {  	[tilespmem:v11+s16+$0x0] =	vst.idx.msk $0xffff, v17  }
0xd7: {  	v14 =	vld [tilespmem:$0x1FEB0];
	_ =	sdelay $0x1  }
0xd8: {  	v7 =	vld [tilespmem:s24+$0x190]  }
0xd9: {  	[tilespmem:v16+s16+$0x0] =	vst.idx.msk $0xffff, v62  }
0xda: {  	v3 =	vadd.f32 v15, v33;
	[tilespmem:v55+s16+$0x0] =	vst.idx.msk $0xffff, v48  }
0xdb: {  	v57 =	vadd.f32 v12, v33;
	[tilespmem:v63+s16+$0x0] =	vst.idx.msk $0xffff, v6;
	v53 =	vadd.s32 v14, v37  }
0xdc: {  	[tilespmem:v9+s16+$0x0] =	vst.idx.msk $0xffff, v3;
	v2 =	vadd.f32 v2, v33  }
0xdd: {  	[tilespmem:v10+s16+$0x0] =	vst.idx.msk $0xffff, v57;
	v7 =	vadd.f32 v7, v35  }
0xde: {  	[tilespmem:v60+s16+$0x0] =	vst.idx.msk $0xffff, v2  }
0xdf: {  	v3 =	vld [tilespmem:s24+$0x110];
	[tilespmem:v56+s16+$0x0] =	vst.idx.msk $0xffff, v7  }
0xe0: {  	v59 =	vld [tilespmem:s24+$0x90];
	[tilespmem:v53+s16+$0x0] =	vst.idx.msk $0xffff, v61  }
0xe1: {  	v16 =	vld [tilespmem:$0x1FFC0]  }
0xe2: {  	v2 =	vld [tilespmem:s24+$0xFFFFFE10]  }
0xe3: {  	v60 =	vld [tilespmem:s24+$0xFFFFFEA0]  }
0xe4: {  	v3 =	vadd.f32 v3, v35;
	v61 =	vld [tilespmem:s24+$0x20]  }
0xe5: {  	v62 =	vadd.f32 v59, v35;
	v7 =	vld [tilespmem:s24+$0x1A0]  }
0xe6: {  	v32 =	vadd.f32 v13, v33;
	[tilespmem:v58+s16+$0x0] =	vst.idx.msk $0xffff, v3;
	v3 =	vld [tilespmem:s24+$0xFFFFFFA0];
	v63 =	vadd.s32 v16, v40  }
0xe7: {  	v2 =	vadd.f32 v2, v35;
	[tilespmem:v47+s16+$0x0] =	vst.idx.msk $0xffff, v62  }
0xe8: {  	v37 =	vadd.f32 v60, v34;
	[tilespmem:v5+s16+$0x0] =	vst.idx.msk $0xffff, v32  }
0xe9: {  	[tilespmem:v54+s16+$0x0] =	vst.idx.msk $0xffff, v2;
	v8 =	vadd.f32 v61, v34  }
0xea: {  	v36 =	vld [tilespmem:s24+$0x120];
	[tilespmem:v0+s16+$0x0] =	vst.idx.msk $0xffff, v37;
	v2 =	vadd.f32 v7, v34  }
0xeb: {  	v6 =	vld [tilespmem:s24+$0xA0];
	v3 =	vadd.f32 v3, v34;
	[tilespmem:v63+s16+$0x0] =	vst.idx.msk $0xffff, v8  }
0xec: {  	v48 =	vld [tilespmem:$0x1FE90];
	[tilespmem:v52+s16+$0x0] =	vst.idx.msk $0xffff, v2  }
0xed: {  	v47 =	vld [tilespmem:s24+$0xFFFFFF20];
	[tilespmem:v46+s16+$0x0] =	vst.idx.msk $0xffff, v3  }
0xee: {  	v53 =	vld [tilespmem:$0x1FE20]  }
0xef: {  	v0 =	vld [tilespmem:s24+$0xFFFFFE20]  }
0xf0: {  	v5 =	vld [tilespmem:s24+$0xFFFFFEB0];
	v49 =	vadd.f32 v36, v34  }
0xf1: {  	v8 =	vld [tilespmem:s24+$0x30];
	v2 =	vadd.f32 v6, v34;
	v7 =	vadd.s32 v48, v44  }
0xf2: {  	v52 =	vadd.f32 v47, v34;
	v3 =	vld [tilespmem:s24+$0x1B0];
	[tilespmem:v51+s16+$0x0] =	vst.idx.msk $0xffff, v49  }
0xf3: {  	v9 =	vld [tilespmem:$0x1FE80];
	[tilespmem:v50+s16+$0x0] =	vst.idx.msk $0xffff, v2;
	v10 =	vadd.s32 v53, v40  }
0xf4: {  	v0 =	vadd.f32 v0, v34;
	v54 =	vld [tilespmem:s24+$0xFFFFFFB0];
	[tilespmem:v4+s16+$0x0] =	vst.idx.msk $0xffff, v52  }
0xf5: {  	v55 =	vadd.f32 v5, v33;
	v17 =	vld [tilespmem:$0x1FE10]  }
0xf6: {  	v59 =	vld [tilespmem:$0x1FE40];
	v8 =	vadd.f32 v8, v33;
	[tilespmem:v7+s16+$0x0] =	vst.idx.msk $0xffff, v0  }
0xf7: {  	v0 =	vld [tilespmem:$0x1FE30];
	[tilespmem:v38+s16+$0x0] =	vst.idx.msk $0xffff, v55  }
0xf8: {  	v58 =	vld [tilespmem:s24+$0xFFFFFF30];
	[tilespmem:v10+s16+$0x0] =	vst.idx.msk $0xffff, v8  }
0xf9: {  	v9 =	vadd.s32 v9, v45;
	v10 =	vld [tilespmem:$0x1FEA0]  }
0xfa: {  	v62 =	vadd.s32 v14, v39;
	v2 =	vld [tilespmem:s24+$0x130]  }
0xfb: {  	v57 =	vld [tilespmem:s24+$0xB0];
	v56 =	vadd.s32 v17, v43  }
0xfc: {  	v3 =	vadd.f32 v3, v33;
	v13 =	vadd.s32 v59, v41;
	v60 =	vld [tilespmem:s24+$0xFFFFFE30]  }
0xfd: {  	v63 =	vadd.f32 v58, v33;
	v0 =	vadd.s32 v0, v42  }
0xfe: {  	v61 =	vadd.f32 v54, v33;
	[tilespmem:v9+s16+$0x0] =	vst.idx.msk $0xffff, v3;
	v10 =	vadd.s32 v10, v44  }
0xff: {  	v2 =	vadd.f32 v2, v33;
	[tilespmem:v62+s16+$0x0] =	vst.idx.msk $0xffff, v63  }
0x100: {  	s0 =	sshll.u32 s22, $0x13;
	v3 =	vadd.f32 v57, v33;
	[tilespmem:v56+s16+$0x0] =	vst.idx.msk $0xffff, v61  }
0x101: {  	s0 =	sor.u32 s7, s0;
	[tilespmem:v13+s16+$0x0] =	vst.idx.msk $0xffff, v2;
	v2 =	vadd.f32 v60, v33  }
0x102: {  	s0 =	sshrl.u32 s0, $0x3;
	[tilespmem:v0+s16+$0x0] =	vst.idx.msk $0xffff, v3  }
0x103: {  	s2 =	simm.s32 $0x11600;
	s0 =	sadd.s32 s3, s0;
	[tilespmem:v10+s16+$0x0] =	vst.idx.msk $0xffff, v2  }
0x104: {  	[hbm4b:s0+s4] =	stream.linear.scatter [tilespmem:s2], [sflag:$0x3], $0x80, $0x38;
	[tilespmem:$0x15A00] =	vst v63  }
0x105: {  	s25 =	simm.s32 $0x11688;
	s26 =	sadd.s32 $0x10, s0  }
0x106: {  	[hbm4b:s26+s4] =	stream.linear.scatter [tilespmem:s25], [sflag:$0x3], $0x80, $0x38;
	[tilespmem:$0x15A00] =	vst v63  }
0x107: {  	s30 =	simm.s32 $0x11710;
	s28 =	simm.s32 $0x119B8;
	s31 =	sadd.s32 $0x20, s0  }
0x108: {  	[hbm4b:s31+s4] =	stream.linear.scatter [tilespmem:s30], [sflag:$0x3], $0x80, $0x38;
	[tilespmem:$0x15A00] =	vst v63  }
0x109: {  	s29 =	sadd.s32 $0x70, s0;
	s25 =	simm.s32 $0x11798;
	s26 =	sadd.s32 $0x30, s0  }
0x10a: {  	[hbm4b:s26+s4] =	stream.linear.scatter [tilespmem:s25], [sflag:$0x3], $0x80, $0x38;
	[tilespmem:$0x15A00] =	vst v63  }
0x10b: {  	s24 =	simm.s32 $0x440;
	s30 =	simm.s32 $0x11820;
	s31 =	sadd.s32 $0x40, s0  }
0x10c: {  	[hbm4b:s31+s4] =	stream.linear.scatter [tilespmem:s30], [sflag:$0x3], $0x80, $0x38;
	[tilespmem:$0x15A00] =	vst v63  }
0x10d: {  	s25 =	simm.s32 $0x118A8;
	s26 =	sadd.s32 $0x50, s0;
	s30 =	simm.s32 $0x11930  }
0x10e: {  	[hbm4b:s26+s4] =	stream.linear.scatter [tilespmem:s25], [sflag:$0x3], $0x80, $0x38;
	[tilespmem:$0x15A00] =	vst v63  }
0x10f: {  	s31 =	sadd.s32 $0x60, s0;
	s26 =	simm.s32 $0x2200;
	s25 =	sadd.s32 $0x1000, s0  }
0x110: {  	v39 =	vmov v16;
	[hbm4b:s31+s4] =	stream.linear.scatter [tilespmem:s30], [sflag:$0x3], $0x80, $0x38;
	[tilespmem:$0x15A00] =	vst v63  }
.LBB2_5:
0x111: {  	[hbm4b:s29+s4] =	stream.linear.scatter [tilespmem:s28], [sflag:$0x3], $0x80, $0x38;
	[tilespmem:$0x15A00] =	vst v63  }
0x112: {  	s0 =	smov.u32 s24;
	s2 =	smov.u32 s26  }
0x113: {  	s24 =	sshra.s32 s2, $0x2;
	s2 =	sadd.s32 $0x1100, s26;
	s28 =	sadd.s32 $0x11600, s0  }
0x114: {  	[hbm4b:s25+s4] =	stream.linear.scatter [tilespmem:s28], [sflag:$0x3], $0x80, $0x38;
	[tilespmem:$0x15A00] =	vst v63  }
0x115: {  	p1 =	sne.s32 s26, $0x7700;
	s26 =	sadd.s32 $0x11688, s0;
	s28 =	sadd.s32 $0x10, s25  }
0x116: {  	[hbm4b:s28+s4] =	stream.linear.scatter [tilespmem:s26], [sflag:$0x3], $0x80, $0x38;
	[tilespmem:$0x15A00] =	vst v63  }
0x117: {  	s26 =	sadd.s32 $0x11710, s0;
	s28 =	sadd.s32 $0x20, s25  }
0x118: {  	[hbm4b:s28+s4] =	stream.linear.scatter [tilespmem:s26], [sflag:$0x3], $0x80, $0x38;
	[tilespmem:$0x15A00] =	vst v63  }
0x119: {  	s26 =	sadd.s32 $0x11798, s0;
	s28 =	sadd.s32 $0x30, s25  }
0x11a: {  	[hbm4b:s28+s4] =	stream.linear.scatter [tilespmem:s26], [sflag:$0x3], $0x80, $0x38;
	[tilespmem:$0x15A00] =	vst v63  }
0x11b: {  	s26 =	sadd.s32 $0x11820, s0;
	s28 =	sadd.s32 $0x40, s25  }
0x11c: {  	[hbm4b:s28+s4] =	stream.linear.scatter [tilespmem:s26], [sflag:$0x3], $0x80, $0x38;
	[tilespmem:$0x15A00] =	vst v63  }
.Ltmp1:
0x11d: {  	s26 =	sadd.s32 $0x118A8, s0;
	s28 =	sadd.s32 $0x50, s25;
	(pc) =	sbr.rel @p1 .LBB2_5-.Ltmp1, $4  }
0x11e: {  	[hbm4b:s28+s4] =	stream.linear.scatter [tilespmem:s26], [sflag:$0x3], $0x80, $0x38;
	[tilespmem:$0x15A00] =	vst v63  }
0x11f: {  	s29 =	sadd.s32 $0x70, s25;
	s26 =	sadd.s32 $0x11930, s0;
	s28 =	sadd.s32 $0x60, s25  }
0x120: {  	[hbm4b:s28+s4] =	stream.linear.scatter [tilespmem:s26], [sflag:$0x3], $0x80, $0x38;
	[tilespmem:$0x15A00] =	vst v63  }
0x121: {  	s25 =	sadd.s32 $0x1000, s25;
	s28 =	sadd.s32 $0x119B8, s0;
	s26 =	smov.u32 s2  }
0x122: {  	[hbm4b:s29+s4] =	stream.linear.scatter [tilespmem:s28], [sflag:$0x3], $0x80, $0x38;
	[tilespmem:$0x15A00] =	vst v63  }
0x123: {  	s0 =	sadd.s32 $0x11600, s24  }
0x124: {  	[hbm4b:s25+s4] =	stream.linear.scatter [tilespmem:s0], [sflag:$0x3], $0x80, $0x38;
	[tilespmem:$0x15A00] =	vst v63  }
0x125: {  	s31 =	sadd.s32 $0x11688, s24;
	s2 =	sadd.s32 $0x10, s25  }
0x126: {  	[hbm4b:s2+s4] =	stream.linear.scatter [tilespmem:s31], [sflag:$0x3], $0x80, $0x38;
	[tilespmem:$0x15A00] =	vst v63  }
0x127: {  	s26 =	sadd.s32 $0x20, s25;
	s2 =	sadd.s32 $0x11710, s24  }
0x128: {  	[hbm4b:s26+s4] =	stream.linear.scatter [tilespmem:s2], [sflag:$0x3], $0x80, $0x38;
	[tilespmem:$0x15A00] =	vst v63  }
0x129: {  	s28 =	sadd.s32 $0x11798, s24;
	s29 =	sadd.s32 $0x30, s25  }
0x12a: {  	[hbm4b:s29+s4] =	stream.linear.scatter [tilespmem:s28], [sflag:$0x3], $0x80, $0x38;
	[tilespmem:$0x15A00] =	vst v63  }
0x12b: {  	s30 =	sadd.s32 $0x11820, s24;
	s31 =	sadd.s32 $0x40, s25  }
0x12c: {  	[hbm4b:s31+s4] =	stream.linear.scatter [tilespmem:s30], [sflag:$0x3], $0x80, $0x38;
	[tilespmem:$0x15A00] =	vst v63  }
0x12d: {  	p1 =	sne.s32 s22, $0x63;
	s2 =	sadd.s32 $0x118A8, s24;
	s26 =	sadd.s32 $0x50, s25  }
0x12e: {  	[hbm4b:s26+s4] =	stream.linear.scatter [tilespmem:s2], [sflag:$0x3], $0x80, $0x38;
	[tilespmem:$0x15A00] =	vst v63  }
.Ltmp2:
0x12f: {  	_ = 	snop;
	(pc) =	sbr.rel @p1 .LBB2_8-.Ltmp2, $4  }
0x130: {  	s28 =	sadd.s32 $0x11930, s24;
	s29 =	sadd.s32 $0x60, s25  }
0x131: {  	v21 =	vld [tilespmem:$0x1FF60];
	[hbm4b:s29+s4] =	stream.linear.scatter [tilespmem:s28], [sflag:$0x3], $0x80, $0x38  }
0x132: {  	v22 =	vld [tilespmem:$0x1FE50];
	s30 =	sadd.s32 $0x119B8, s24;
	s31 =	sadd.s32 $0x70, s25  }
0x133: {  	v60 =	vmov v28;
	v27 =	vld [tilespmem:$0x1FE60];
	v31 =	vmov v19;
	v38 =	vmov v20;
	[hbm4b:s31+s4] =	stream.linear.scatter [tilespmem:s30], [sflag:$0x3], $0x80, $0x38  }
.Ltmp3:
0x134: {  	(pc) =	sbr.rel .LBB2_9-.Ltmp3, $4  }
0x135: {  	_ = 	snop  }
0x136: {  	_ =	swait.ge [sflag:s17], $0x4000  }
0x137: {  	[sflag:s17] =	ssyncset.done $0x0  }
0x138: {  	v29 =	vld [tilespmem:$0x1FF40];
	[sflag:s17] =	ssyncadd.s32 $0xFFFFC000  }
.LBB2_8:
0x139: {  	s0 =	sshll.u32 s22, $0x8  }
0x13a: {  	s0 =	sand.u32 $0x3FFFFF00, s0  }
.Ltmp4:
0x13b: {  	s0 =	sadd.s32 $0x100, s0;
	(pc) =	sbr.rel @p0 .LBB2_10-.Ltmp4, $4  }
0x13c: {  	[tilespmem:s13], [sflag:$0x1] =	stream.indirect.gather [hbm4b:s1+s9], $0x80, s0, s9, $0xb8;
	[tilespmem:$0x15A00] =	vst v63  }
0x13d: {  	_ =	swait.ge [sflag:s17], $0x4000  }
0x13e: {  	[sflag:s17] =	ssyncset.done $0x0  }
0x13f: {  	v29 =	vld [tilespmem:$0x1FF40];
	[sflag:s17] =	ssyncadd.s32 $0xFFFFC000  }
.LBB2_9:
0x140: {  	_ =	swait.ge [sflag:s18], $0x2000  }
0x141: {  	[sflag:s18] =	ssyncset.done $0x0  }
0x142: {  	[sflag:s18] =	ssyncadd.s32 $0xFFFFE000  }
.LBB2_10:
0x143: {  	s29 =	simm.s32 $0x1  }
0x144: {  	s31 =	simm.s32 $0x4;
	v5 =	vmov s29  }
0x145: {  	s0 =	sshll.u32 s23, $0x6;
	s25 =	simm.s32 $0x5;
	v48 =	vld [tilespmem:$0x1FF10];
	v3 =	vmov s31;
	v5 =	vshrl.u32 v5, $0x3  }
0x146: {  	s26 =	simm.s32 $0x2;
	v62 =	vld [tilespmem:$0x1FED0];
	s0 =	sand.u32 $0x3FFFFFC0, s0;
	v4 =	vmov s25;
	v3 =	vshrl.u32 v3, $0x3;
	v5 =	vshll.u32 v5, v1  }
0x147: {  	s30 =	simm.s32 $0x3;
	v6 =	vmov s26;
	s25 =	simm.s32 $0xD800;
	v36 =	vld [tilespmem:s0+$0x6400];
	v3 =	vshll.u32 v3, v1;
	v5 =	vbroadcast v5, $0x0  }
0x148: {  	v6 =	vshrl.u32 v6, $0x3;
	v7 =	vld [tilespmem:s25+$0x0];
	v44 =	vbroadcast v3, $0x0;
	v3 =	vmov s30  }
0x149: {  	v8 =	vld [tilespmem:s25+$0xFFFFFE80];
	v6 =	vshll.u32 v6, v1;
	v3 =	vshrl.u32 v3, $0x3;
	v11 =	vadd.s32 v23, v5  }
0x14a: {  	v9 =	vld [tilespmem:s25+$0xFFFFFF00];
	v37 =	vbroadcast v6, $0x0;
	v6 =	vadd.s32 v48, v44;
	v3 =	vshll.u32 v3, v1;
	[tilespmem:$0x1FD50] =	vst v11  }
0x14b: {  	s2 =	simm.s32 $0x0;
	v10 =	vadd.s32 v18, v5;
	v50 =	vbroadcast v3, $0x0;
	v11 =	vld [tilespmem:s25+$0xFFFFFF80]  }
0x14c: {  	v0 =	vmov s2;
	v12 =	vadd.s32 v24, v37  }
0x14d: {  	v35 =	vld [tilespmem:s0+$0x6410];
	v0 =	vshrl.u32 v0, $0x3;
	v7 =	vadd.f32 v7, v36;
	v15 =	vadd.s32 v62, v50  }
0x14e: {  	v34 =	vld [tilespmem:s0+$0x6420];
	v17 =	vshll.u32 v0, v1;
	v0 =	vadd.f32 v8, v36  }
0x14f: {  	v33 =	vld [tilespmem:s0+$0x6430];
	v9 =	vadd.f32 v9, v36;
	[tilespmem:v6+s19+$0x0] =	vst.idx.msk $0xffff, v7  }
0x150: {  	v3 =	vld [tilespmem:s25+$0xFFFFFE00];
	[tilespmem:v10+s19+$0x0] =	vst.idx.msk $0xffff, v0;
	v7 =	vadd.f32 v11, v36  }
0x151: {  	v13 =	vld [tilespmem:s25+$0x180];
	[tilespmem:v12+s19+$0x0] =	vst.idx.msk $0xffff, v9  }
0x152: {  	v4 =	vshrl.u32 v4, $0x3;
	v16 =	vld [tilespmem:s25+$0x100];
	[tilespmem:v15+s19+$0x0] =	vst.idx.msk $0xffff, v7  }
0x153: {  	v53 =	vmov v24;
	v4 =	vshll.u32 v4, v1;
	v24 =	vld [tilespmem:$0x1FF90]  }
0x154: {  	v55 =	vbroadcast v4, $0x0;
	v4 =	vld [tilespmem:s25+$0xFFFFFE90]  }
0x155: {  	v10 =	vld [tilespmem:s25+$0xFFFFFF10]  }
0x156: {  	s24 =	simm.s32 $0x7;
	v57 =	vld [tilespmem:$0x1FEC0]  }
0x157: {  	v2 =	vmov s24;
	v32 =	vld [tilespmem:$0x1FEF0]  }
0x158: {  	s31 =	simm.s32 $0x6;
	v2 =	vshrl.u32 v2, $0x3;
	v9 =	vadd.s32 v31, v5;
	v24 =	vadd.s32 v24, v5;
	v5 =	vld [tilespmem:$0x1FF50]  }
0x159: {  	v14 =	vmov s31;
	v2 =	vshll.u32 v2, v1;
	v54 =	vbroadcast v17, $0x0;
	v63 =	vld [tilespmem:$0x1FE70]  }
0x15a: {  	v8 =	vshrl.u32 v14, $0x3;
	v14 =	vld [tilespmem:s25+$0x80];
	v0 =	vbroadcast v2, $0x0;
	v2 =	vadd.s32 v29, v55  }
0x15b: {  	v40 =	vadd.s32 v38, v54;
	v8 =	vshll.u32 v8, v1;
	v6 =	vld [tilespmem:s25+$0x10];
	[tilespmem:$0x1FD30] =	vst v2;
	v17 =	vadd.s32 v57, v37  }
0x15c: {  	v52 =	vbroadcast v8, $0x0;
	v8 =	vadd.f32 v13, v36;
	v13 =	vld [tilespmem:s25+$0xFFFFFF90];
	[tilespmem:$0x1FD40] =	vst v40;
	v2 =	vadd.s32 v32, v50  }
0x15d: {  	v12 =	vmov v29;
	[tilespmem:$0x1FD70] =	vst v2;
	v5 =	vadd.s32 v5, v55  }
0x15e: {  	v29 =	vld [tilespmem:$0x1FEE0];
	v19 =	vadd.f32 v4, v35;
	v4 =	vadd.f32 v10, v35;
	[tilespmem:$0x1FD90] =	vst v5;
	v5 =	vadd.s32 v63, v0  }
0x15f: {  	v51 =	vld [tilespmem:$0x1FF30];
	[tilespmem:$0x1FD60] =	vst v5  }
0x160: {  	v2 =	vld [tilespmem:$0x1FF70];
	[tilespmem:v17+s19+$0x0] =	vst.idx.msk $0xffff, v4  }
0x161: {  	v28 =	vmov v18;
	v61 =	vmov v25;
	v18 =	vadd.s32 v25, v54;
	v25 =	vld [tilespmem:$0x1FF80];
	_ =	sdelay $0x3  }
0x162: {  	s24 =	simm.s32 $0xDC00  }
0x163: {  	v42 =	vld [tilespmem:s24+$0xFFFFFE80];
	v4 =	vadd.s32 v25, v52  }
0x164: {  	[tilespmem:$0x1FD80] =	vst v4;
	v4 =	vld [tilespmem:$0x1FE90];
	_ =	sdelay $0x1  }
0x165: {  	v7 =	vadd.s32 v21, v52;
	_ =	sdelay $0x2  }
0x166: {  	v49 =	vmov v23;
	v16 =	vadd.f32 v16, v36;
	v4 =	vadd.s32 v4, v54  }
0x167: {  	s29 =	simm.s32 $0x9;
	v41 =	vadd.s32 v30, v37;
	v11 =	vadd.s32 v60, v44;
	v23 =	vadd.s32 v51, v55;
	[tilespmem:$0x1FDA0] =	vst v4  }
0x168: {  	v58 =	vmov s29;
	v14 =	vadd.f32 v14, v36;
	v15 =	vadd.s32 v22, v0;
	[tilespmem:v7+s19+$0x0] =	vst.idx.msk $0xffff, v16  }
0x169: {  	v59 =	vmovc v21;
	v6 =	vadd.f32 v6, v35;
	v21 =	vadd.s32 v29, v50;
	v13 =	vadd.f32 v13, v35;
	v46 =	vld [tilespmem:s25+$0x110]  }
0x16a: {  	s31 =	simm.s32 $0xA;
	s30 =	simm.s32 $0xC;
	v20 =	vadd.s32 v2, v52;
	v17 =	vadd.s32 v39, v44;
	v39 =	vshrl.u32 v58, $0x3  }
0x16b: {  	v38 =	vld [tilespmem:s25+$0xFFFFFF20];
	v7 =	vmov s30;
	v16 =	vmov s31;
	[tilespmem:v9+s19+$0x0] =	vst.idx.msk $0xffff, v19;
	v19 =	vshll.u32 v39, v1  }
0x16c: {  	s26 =	simm.s32 $0xF;
	[tilespmem:v23+s19+$0x0] =	vst.idx.msk $0xffff, v14;
	v16 =	vshrl.u32 v16, $0x3;
	v19 =	vbroadcast v19, $0x0;
	v7 =	vshrl.u32 v7, $0x3  }
0x16d: {  	v40 =	vmov s26;
	[tilespmem:v11+s19+$0x0] =	vst.idx.msk $0xffff, v6;
	v14 =	vshll.u32 v16, v1;
	v16 =	vld [tilespmem:s25+$0xFFFFFEA0];
	v7 =	vshll.u32 v7, v1  }
0x16e: {  	v45 =	vld [tilespmem:s24+$0xFFFFFF00];
	[tilespmem:v15+s19+$0x0] =	vst.idx.msk $0xffff, v8;
	v39 =	vbroadcast v14, $0x0;
	v23 =	vadd.s32 v28, v19;
	v15 =	vadd.f32 v46, v35  }
0x16f: {  	v3 =	vadd.f32 v3, v36;
	v47 =	vld [tilespmem:s24+$0x0];
	[tilespmem:v21+s19+$0x0] =	vst.idx.msk $0xffff, v13;
	v14 =	vshrl.u32 v40, $0x3;
	v40 =	vbroadcast v7, $0x0  }
0x170: {  	v11 =	vadd.f32 v38, v34;
	v21 =	vadd.s32 v53, v39;
	[tilespmem:v20+s19+$0x0] =	vst.idx.msk $0xffff, v15;
	v20 =	vld [tilespmem:s25+$0x190]  }
0x171: {  	[tilespmem:v18+s19+$0x0] =	vst.idx.msk $0xffff, v3;
	v8 =	vadd.s32 v48, v40;
	v46 =	vadd.f32 v42, v36  }
0x172: {  	v10 =	vadd.s32 v27, v0;
	[tilespmem:v41+s19+$0x0] =	vst.idx.msk $0xffff, v11;
	v16 =	vadd.f32 v16, v34  }
0x173: {  	v3 =	vadd.f32 v45, v36;
	[tilespmem:v23+s19+$0x0] =	vst.idx.msk $0xffff, v46  }
0x174: {  	[tilespmem:v24+s19+$0x0] =	vst.idx.msk $0xffff, v16;
	v24 =	vadd.f32 v47, v36  }
0x175: {  	[tilespmem:v21+s19+$0x0] =	vst.idx.msk $0xffff, v3;
	v3 =	vadd.f32 v20, v35  }
0x176: {  	[tilespmem:v8+s19+$0x0] =	vst.idx.msk $0xffff, v24  }
0x177: {  	[tilespmem:v10+s19+$0x0] =	vst.idx.msk $0xffff, v3  }
0x178: {  	v10 =	vld [tilespmem:$0x1FD30]  }
0x179: {  	v6 =	vld [tilespmem:s25+$0x90]  }
0x17a: {  	v16 =	vld [tilespmem:s25+$0x20]  }
0x17b: {  	s2 =	simm.s32 $0x8;
	v7 =	vld [tilespmem:s24+$0xFFFFFE00]  }
0x17c: {  	v43 =	vmov s2  }
0x17d: {  	v13 =	vshrl.u32 v43, $0x3;
	v43 =	vld [tilespmem:s24+$0x180]  }
0x17e: {  	s30 =	simm.s32 $0xB;
	s31 =	simm.s32 $0xE;
	v6 =	vadd.f32 v6, v35  }
0x17f: {  	v58 =	vmov s30;
	v15 =	vmov s31;
	v3 =	vadd.f32 v16, v34  }
0x180: {  	s29 =	simm.s32 $0xD;
	v53 =	vld [tilespmem:s24+$0xFFFFFF80];
	v41 =	vshrl.u32 v58, $0x3;
	v48 =	vadd.f32 v7, v36;
	v15 =	vshrl.u32 v15, $0x3;
	[tilespmem:v10+s19+$0x0] =	vst.idx.msk $0xffff, v6  }
0x181: {  	v9 =	vmov s29;
	v7 =	vshll.u32 v15, v1;
	v15 =	vshll.u32 v41, v1;
	v23 =	vld [tilespmem:$0x1FE20];
	[tilespmem:v17+s19+$0x0] =	vst.idx.msk $0xffff, v3  }
0x182: {  	v38 =	vadd.s32 v49, v19;
	v49 =	vadd.f32 v43, v36;
	v43 =	vbroadcast v15, $0x0;
	v3 =	vld [tilespmem:$0x1FD40]  }
0x183: {  	v9 =	vshrl.u32 v9, $0x3;
	v18 =	vld [tilespmem:s25+$0xFFFFFE10]  }
0x184: {  	v9 =	vshll.u32 v9, v1;
	v8 =	vadd.s32 v62, v43  }
0x185: {  	v42 =	vbroadcast v9, $0x0;
	_ =	sdelay $0x1  }
0x186: {  	v28 =	vmov v12;
	v47 =	vadd.s32 v12, v42;
	v12 =	vadd.f32 v53, v36  }
0x187: {  	v10 =	vadd.f32 v18, v35  }
0x188: {  	[tilespmem:v8+s19+$0x0] =	vst.idx.msk $0xffff, v12  }
0x189: {  	[tilespmem:v3+s19+$0x0] =	vst.idx.msk $0xffff, v10  }
0x18a: {  	v12 =	vld [tilespmem:$0x1FE30];
	_ =	sdelay $0x4  }
0x18b: {  	v20 =	vadd.s32 v60, v40;
	v60 =	vadd.s32 v12, v55;
	v12 =	vld [tilespmem:$0x1FD50]  }
0x18c: {  	v41 =	vbroadcast v7, $0x0;
	v7 =	vld [tilespmem:s25+$0xFFFFFEB0]  }
0x18d: {  	v14 =	vshll.u32 v14, v1  }
0x18e: {  	v45 =	vbroadcast v14, $0x0;
	v14 =	vld [tilespmem:s25+$0xFFFFFFA0]  }
0x18f: {  	v9 =	vld [tilespmem:s25+$0x120];
	_ =	sdelay $0x1  }
0x190: {  	v7 =	vadd.f32 v7, v33;
	_ =	sdelay $0x1  }
0x191: {  	[tilespmem:v12+s19+$0x0] =	vst.idx.msk $0xffff, v7  }
0x192: {  	v12 =	vadd.f32 v14, v34;
	v14 =	vadd.f32 v9, v34;
	v9 =	vld [tilespmem:$0x1FD60]  }
0x193: {  	v6 =	vld [tilespmem:s25+$0x1A0];
	_ =	sdelay $0x4  }
0x194: {  	v6 =	vadd.f32 v6, v34;
	_ =	sdelay $0x1  }
0x195: {  	[tilespmem:v9+s19+$0x0] =	vst.idx.msk $0xffff, v6  }
0x196: {  	v9 =	vld [tilespmem:$0x1FD70];
	_ =	sdelay $0x3  }
0x197: {  	v58 =	vld [tilespmem:s25+$0xFFFFFF30];
	_ =	sdelay $0x1  }
0x198: {  	v13 =	vshll.u32 v13, v1  }
0x199: {  	v16 =	vadd.s32 v23, v44;
	v44 =	vbroadcast v13, $0x0  }
0x19a: {  	[tilespmem:v9+s19+$0x0] =	vst.idx.msk $0xffff, v12  }
0x19b: {  	v55 =	vadd.s32 v61, v44;
	v61 =	vadd.f32 v58, v33;
	v58 =	vadd.s32 v2, v41;
	v2 =	vld [tilespmem:$0x1FE10];
	_ =	sdelay $0x4  }
0x19c: {  	v9 =	vadd.s32 v2, v50;
	v2 =	vld [tilespmem:$0x1FD80];
	_ =	sdelay $0x2  }
0x19d: {  	v11 =	vld [tilespmem:s24+$0x80]  }
0x19e: {  	v7 =	vld [tilespmem:s24+$0xFFFFFF10];
	_ =	sdelay $0x3  }
0x19f: {  	v62 =	vadd.f32 v11, v36;
	v11 =	vld [tilespmem:s25+$0x30];
	[tilespmem:v2+s19+$0x0] =	vst.idx.msk $0xffff, v14  }
0x1a0: {  	v14 =	vadd.f32 v7, v35;
	v7 =	vld [tilespmem:$0x1FE80];
	_ =	sdelay $0x4  }
0x1a1: {  	v12 =	vadd.f32 v11, v33;
	v11 =	vadd.s32 v7, v0;
	v0 =	vld [tilespmem:$0x1FD90]  }
0x1a2: {  	v10 =	vld [tilespmem:s25+$0xA0];
	_ =	sdelay $0x4  }
0x1a3: {  	v10 =	vadd.f32 v10, v34;
	_ =	sdelay $0x1  }
0x1a4: {  	v17 =	vld [tilespmem:s24+$0xFFFFFE90];
	[tilespmem:v0+s19+$0x0] =	vst.idx.msk $0xffff, v10  }
0x1a5: {  	v0 =	vld [tilespmem:$0x1FE40];
	_ =	sdelay $0x2  }
0x1a6: {  	v15 =	vld [tilespmem:s24+$0x10]  }
0x1a7: {  	v18 =	vadd.f32 v17, v35;
	v17 =	vld [tilespmem:s25+$0xFFFFFE20]  }
0x1a8: {  	v10 =	vadd.s32 v0, v52;
	v0 =	vld [tilespmem:$0x1FEA0]  }
0x1a9: {  	v2 =	vld [tilespmem:s25+$0x1B0];
	_ =	sdelay $0x1  }
0x1aa: {  	v13 =	vadd.f32 v15, v35  }
0x1ab: {  	v4 =	vld [tilespmem:$0x1FF90];
	[tilespmem:v16+s19+$0x0] =	vst.idx.msk $0xffff, v12  }
0x1ac: {  	v5 =	vadd.s32 v0, v54;
	v0 =	vld [tilespmem:$0x1FFA0];
	[tilespmem:v20+s19+$0x0] =	vst.idx.msk $0xffff, v13  }
0x1ad: {  	v7 =	vadd.f32 v17, v34;
	v17 =	vadd.f32 v2, v33;
	v2 =	vld [tilespmem:$0x1FF50];
	_ =	sdelay $0x4  }
0x1ae: {  	v24 =	vadd.s32 v31, v19;
	v31 =	vmov v2;
	v50 =	vadd.s32 v2, v42;
	v2 =	vld [tilespmem:$0x1FDA0];
	_ =	sdelay $0x1  }
0x1af: {  	v56 =	vld [tilespmem:s24+$0x100]  }
0x1b0: {  	v6 =	vld [tilespmem:s24+$0xFFFFFF90];
	_ =	sdelay $0x1  }
0x1b1: {  	v53 =	vadd.s32 v22, v45  }
0x1b2: {  	v22 =	vmovc v63;
	v59 =	vadd.s32 v59, v41;
	v46 =	vadd.s32 v32, v43;
	v63 =	vadd.s32 v29, v43;
	v15 =	vld [tilespmem:s25+$0xFFFFFFB0]  }
0x1b3: {  	v8 =	vadd.f32 v56, v36;
	v56 =	vadd.s32 v27, v45;
	v3 =	vadd.s32 v57, v39;
	v12 =	vld [tilespmem:s25+$0x130]  }
0x1b4: {  	v29 =	vmov v28;
	v6 =	vadd.f32 v6, v35;
	v16 =	vadd.s32 v51, v42;
	[tilespmem:v2+s19+$0x0] =	vst.idx.msk $0xffff, v7;
	v2 =	vld [tilespmem:s25+$0xB0]  }
0x1b5: {  	v27 =	vmov v51;
	v52 =	vadd.s32 v22, v45;
	v51 =	vadd.s32 v25, v41;
	[tilespmem:v24+s19+$0x0] =	vst.idx.msk $0xffff, v18;
	v13 =	vld [tilespmem:s25+$0xFFFFFE30]  }
0x1b6: {  	s28 =	simm.s32 $0xE000;
	s26 =	simm.s32 $0x10;
	v32 =	vmovc v25;
	v54 =	vadd.s32 v0, v44;
	v0 =	vadd.s32 v4, v19;
	v4 =	vadd.s32 v30, v39;
	v28 =	vld [tilespmem:$0x1FEB0]  }
.LBB2_11:
0x1b7: {  	v18 =	vld [tilespmem:s28+$0xFFFFFE80]  }
0x1b8: {  	v7 =	vld [tilespmem:$0x1FE90]  }
0x1b9: {  	s2 =	smov.u32 s26;
	v24 =	vld [tilespmem:s24+$0x20];
	[tilespmem:v59+s19+$0x0] =	vst.idx.msk $0xffff, v8  }
0x1ba: {  	[tilespmem:v3+s19+$0x0] =	vst.idx.msk $0xffff, v14;
	s31 =	sadd.s32 $0x2, s2;
	v8 =	vld [tilespmem:s28+$0x100]  }
0x1bb: {  	[tilespmem:v11+s19+$0x0] =	vst.idx.msk $0xffff, v17;
	v21 =	vld [tilespmem:s24+$0xFFFFFF20];
	v17 =	vmov s31;
	v3 =	vadd.f32 v15, v33  }
0x1bc: {  	[tilespmem:v16+s19+$0x0] =	vst.idx.msk $0xffff, v62;
	v23 =	vld [tilespmem:s28+$0xFFFFFF00];
	v16 =	vshrl.u32 v17, $0x3;
	v13 =	vadd.f32 v13, v33  }
0x1bd: {  	v19 =	vmov s2;
	v12 =	vadd.f32 v12, v33;
	[tilespmem:v9+s19+$0x0] =	vst.idx.msk $0xffff, v3;
	v9 =	vshll.u32 v16, v1;
	v16 =	vld [tilespmem:s24+$0x110]  }
0x1be: {  	[tilespmem:v5+s19+$0x0] =	vst.idx.msk $0xffff, v13;
	v13 =	vshrl.u32 v19, $0x3;
	v19 =	vld [tilespmem:$0x1FF20]  }
0x1bf: {  	v22 =	vadd.s32 v28, v37;
	s29 =	sadd.s32 $0x4, s2;
	[tilespmem:v10+s19+$0x0] =	vst.idx.msk $0xffff, v12;
	v12 =	vld [tilespmem:s24+$0xFFFFFEA0]  }
0x1c0: {  	v14 =	vmov s29;
	v3 =	vadd.f32 v2, v33;
	[tilespmem:v63+s19+$0x0] =	vst.idx.msk $0xffff, v6;
	v6 =	vld [tilespmem:$0x1FF10]  }
0x1c1: {  	v37 =	vmov v39;
	v17 =	vld [tilespmem:s24+$0x90];
	v10 =	vshrl.u32 v14, $0x3;
	v39 =	vbroadcast v9, $0x0  }
0x1c2: {  	v57 =	vadd.s32 v7, v44;
	v7 =	vld [tilespmem:$0x1FFC0];
	[tilespmem:v60+s19+$0x0] =	vst.idx.msk $0xffff, v3;
	v3 =	vshll.u32 v10, v1  }
0x1c3: {  	v10 =	vadd.f32 v21, v34;
	v60 =	vld [tilespmem:s28+$0x0];
	v3 =	vbroadcast v3, $0x0;
	v19 =	vadd.s32 v19, v39  }
0x1c4: {  	s0 =	sadd.s32 $0x7, s26;
	v62 =	vld [tilespmem:$0x1FFD0];
	[tilespmem:v22+s19+$0x0] =	vst.idx.msk $0xffff, v61;
	v12 =	vadd.f32 v12, v34  }
0x1c5: {  	v20 =	vmov s0;
	s0 =	sadd.s32 $0x1, s2;
	v59 =	vld [tilespmem:$0x1FF00];
	[tilespmem:v4+s19+$0x0] =	vst.idx.msk $0xffff, v10;
	v6 =	vadd.s32 v6, v3  }
0x1c6: {  	v11 =	vmov s0;
	v14 =	vld [tilespmem:$0x1FFF0];
	[tilespmem:v0+s19+$0x0] =	vst.idx.msk $0xffff, v12;
	v12 =	vadd.f32 v23, v36  }
0x1c7: {  	s25 =	sadd.s32 $0x6, s2;
	v11 =	vshrl.u32 v11, $0x3;
	v7 =	vadd.s32 v7, v40;
	v0 =	vld [tilespmem:s24+$0xFFFFFF30]  }
0x1c8: {  	v4 =	vadd.f32 v18, v36;
	v18 =	vmov s25;
	v21 =	vadd.f32 v60, v36;
	[tilespmem:v19+s19+$0x0] =	vst.idx.msk $0xffff, v12;
	v19 =	vld [tilespmem:$0x1FF60]  }
0x1c9: {  	v25 =	vld [tilespmem:s28+$0x180];
	v2 =	vshll.u32 v11, v1;
	v18 =	vshrl.u32 v18, $0x3  }
0x1ca: {  	v24 =	vadd.f32 v24, v34;
	v2 =	vbroadcast v2, $0x0;
	v5 =	vld [tilespmem:s28+$0xFFFFFE00];
	v18 =	vshll.u32 v18, v1;
	[tilespmem:v6+s19+$0x0] =	vst.idx.msk $0xffff, v21  }
0x1cb: {  	s30 =	sadd.s32 $0x5, s2;
	v11 =	vshrl.u32 v20, $0x3;
	v18 =	vbroadcast v18, $0x0;
	v12 =	vld [tilespmem:s28+$0x10]  }
0x1cc: {  	v15 =	vmov s30;
	v11 =	vshll.u32 v11, v1;
	v14 =	vadd.s32 v14, v2;
	[tilespmem:v7+s19+$0x0] =	vst.idx.msk $0xffff, v24;
	v24 =	vld [tilespmem:$0x1FE30]  }
0x1cd: {  	[tilespmem:v55+s19+$0x0] =	vst.idx.msk $0xffff, v48;
	v20 =	vadd.s32 v59, v2;
	v59 =	vadd.s32 v19, v18;
	v19 =	vbroadcast v11, $0x0;
	v11 =	vld [tilespmem:$0x1FFE0]  }
0x1ce: {  	v15 =	vshrl.u32 v15, $0x3;
	v55 =	vld [tilespmem:s24+$0xFFFFFE10];
	v16 =	vadd.f32 v16, v35  }
0x1cf: {  	[tilespmem:v53+s19+$0x0] =	vst.idx.msk $0xffff, v49;
	v15 =	vshll.u32 v15, v1;
	v9 =	vld [tilespmem:s28+$0x80]  }
0x1d0: {  	[tilespmem:v58+s19+$0x0] =	vst.idx.msk $0xffff, v16;
	v23 =	vld [tilespmem:s24+$0xFFFFFEB0];
	v6 =	vbroadcast v15, $0x0  }
0x1d1: {  	v49 =	vadd.f32 v25, v36;
	v17 =	vadd.f32 v17, v35;
	[tilespmem:v14+s19+$0x0] =	vst.idx.msk $0xffff, v4;
	v14 =	vld [tilespmem:$0x1FE20]  }
0x1d2: {  	s2 =	sadd.s32 $0x3, s2;
	v60 =	vadd.s32 v24, v42;
	v42 =	vmovc v6;
	v25 =	vadd.s32 v11, v3;
	v11 =	vadd.s32 v29, v6;
	v6 =	vld [tilespmem:$0x1FFB0]  }
0x1d3: {  	v61 =	vmov s2;
	[tilespmem:v47+s19+$0x0] =	vst.idx.msk $0xffff, v17;
	v15 =	vld [tilespmem:s24+$0x120]  }
0x1d4: {  	v22 =	vshrl.u32 v61, $0x3;
	v13 =	vshll.u32 v13, v1;
	v7 =	vld [tilespmem:s24+$0xA0]  }
0x1d5: {  	v22 =	vshll.u32 v22, v1;
	v13 =	vbroadcast v13, $0x0  }
0x1d6: {  	v5 =	vadd.f32 v5, v36;
	v21 =	vadd.s32 v62, v2;
	v62 =	vadd.f32 v9, v36  }
0x1d7: {  	v10 =	vld [tilespmem:s28+$0xFFFFFF80];
	v9 =	vadd.f32 v55, v35;
	v55 =	vadd.s32 v6, v13;
	v6 =	vadd.f32 v23, v33  }
0x1d8: {  	v48 =	vmovc v5;
	v5 =	vbroadcast v22, $0x0;
	v61 =	vadd.f32 v0, v33;
	v22 =	vadd.s32 v14, v40;
	v14 =	vld [tilespmem:s28+$0xFFFFFE90]  }
0x1d9: {  	v0 =	vadd.f32 v15, v34;
	[tilespmem:v38+s19+$0x0] =	vst.idx.msk $0xffff, v6;
	v6 =	vadd.f32 v7, v34;
	v7 =	vld [tilespmem:$0x1FF70]  }
0x1da: {  	v16 =	vld [tilespmem:s24+$0x190]  }
0x1db: {  	[tilespmem:v51+s19+$0x0] =	vst.idx.msk $0xffff, v0;
	v0 =	vld [tilespmem:$0x1FE80]  }
0x1dc: {  	v40 =	vmov v3;
	v3 =	vld [tilespmem:$0x1FED0]  }
0x1dd: {  	v47 =	vmov v11;
	v11 =	vld [tilespmem:s24+$0x30]  }
0x1de: {  	v58 =	vadd.s32 v7, v18;
	v7 =	vld [tilespmem:$0x1FE10]  }
0x1df: {  	v16 =	vadd.f32 v16, v35;
	_ =	sdelay $0x1  }
0x1e0: {  	v4 =	vadd.f32 v10, v36;
	v10 =	vld [tilespmem:s24+$0xFFFFFFA0];
	[tilespmem:v56+s19+$0x0] =	vst.idx.msk $0xffff, v16;
	v16 =	vadd.s32 v3, v5  }
0x1e1: {  	[tilespmem:v54+s19+$0x0] =	vst.idx.msk $0xffff, v9;
	v3 =	vld [tilespmem:$0x1FEF0]  }
0x1e2: {  	v9 =	vadd.s32 v7, v43;
	v7 =	vadd.f32 v11, v33;
	v11 =	vadd.s32 v0, v45;
	v0 =	vld [tilespmem:$0x1FE60];
	_ =	sdelay $0x2  }
0x1e3: {  	v10 =	vadd.f32 v10, v34;
	[tilespmem:v16+s19+$0x0] =	vst.idx.msk $0xffff, v4  }
0x1e4: {  	v56 =	vadd.s32 v3, v5;
	v16 =	vld [tilespmem:s28+$0xFFFFFF90];
	v45 =	vmov v19  }
0x1e5: {  	[tilespmem:v46+s19+$0x0] =	vst.idx.msk $0xffff, v10;
	v46 =	vmov v56;
	v56 =	vadd.s32 v0, v45;
	v0 =	vld [tilespmem:$0x1FE40];
	_ =	sdelay $0x2  }
0x1e6: {  	v63 =	vld [tilespmem:$0x1FE50]  }
0x1e7: {  	v43 =	vmov v5;
	v5 =	vld [tilespmem:$0x1FEE0]  }
0x1e8: {  	v10 =	vadd.s32 v0, v41;
	v0 =	vld [tilespmem:$0x1FEA0];
	_ =	sdelay $0x3  }
0x1e9: {  	v17 =	vld [tilespmem:s24+$0x1A0]  }
0x1ea: {  	v53 =	vadd.s32 v63, v19;
	v63 =	vadd.s32 v5, v43;
	v5 =	vadd.s32 v0, v44;
	v0 =	vld [tilespmem:$0x1FFA0];
	_ =	sdelay $0x3  }
0x1eb: {  	v24 =	vadd.f32 v12, v35;
	v12 =	vld [tilespmem:s28+$0xFFFFFF10];
	v15 =	vadd.f32 v17, v34;
	v44 =	vmov v13  }
0x1ec: {  	v54 =	vadd.s32 v0, v44;
	v0 =	vld [tilespmem:$0x1FF90]  }
0x1ed: {  	[tilespmem:v52+s19+$0x0] =	vst.idx.msk $0xffff, v15;
	v4 =	vld [tilespmem:s24+$0xFFFFFE20]  }
0x1ee: {  	v17 =	vld [tilespmem:s24+$0x1B0]  }
0x1ef: {  	v3 =	vld [tilespmem:$0x1FEC0]  }
0x1f0: {  	v23 =	vadd.f32 v14, v35  }
0x1f1: {  	p0 =	slt.u32 s26, $0x78;
	v8 =	vadd.f32 v8, v36;
	v0 =	vadd.s32 v0, v2;
	v2 =	vld [tilespmem:$0x1FE70]  }
.Ltmp5:
0x1f2: {  	v14 =	vadd.f32 v12, v35;
	[tilespmem:v21+s19+$0x0] =	vst.idx.msk $0xffff, v23;
	v4 =	vadd.f32 v4, v34;
	(pc) =	sbr.rel @p0 .LBB2_11-.Ltmp5, $4  }
0x1f3: {  	v12 =	vld [tilespmem:s24+$0x130];
	v17 =	vadd.f32 v17, v33;
	[tilespmem:v50+s19+$0x0] =	vst.idx.msk $0xffff, v6;
	v50 =	vadd.s32 v31, v42  }
0x1f4: {  	v15 =	vld [tilespmem:s24+$0xFFFFFFB0];
	v3 =	vadd.s32 v3, v39;
	v6 =	vadd.f32 v16, v35;
	[tilespmem:v57+s19+$0x0] =	vst.idx.msk $0xffff, v4  }
0x1f5: {  	v16 =	vadd.s32 v27, v42;
	v4 =	vadd.s32 v30, v39;
	[tilespmem:v22+s19+$0x0] =	vst.idx.msk $0xffff, v7;
	v41 =	vmov v18;
	v13 =	vld [tilespmem:s24+$0xFFFFFE30]  }
0x1f6: {  	s26 =	sadd.s32 $0x8, s26;
	v38 =	vmov v20;
	[tilespmem:v25+s19+$0x0] =	vst.idx.msk $0xffff, v24;
	v51 =	vadd.s32 v32, v41;
	v52 =	vadd.s32 v2, v45;
	v2 =	vld [tilespmem:s24+$0xB0];
	s24 =	smov.u32 s28;
	s28 =	sadd.s32 $0x400, s28  }
0x1f7: {  	v36 =	vld [tilespmem:$0x1FFE0]  }
0x1f8: {  	v20 =	vld [tilespmem:$0x1FF90]  }
0x1f9: {  	v21 =	vld [tilespmem:$0x1FFD0]  }
0x1fa: {  	v18 =	vld [tilespmem:$0x1FFF0]  }
0x1fb: {  	v19 =	vld [tilespmem:$0x1FFA0];
	[tilespmem:v59+s19+$0x0] =	vst.idx.msk $0xffff, v8  }
0x1fc: {  	[tilespmem:v3+s19+$0x0] =	vst.idx.msk $0xffff, v14  }
0x1fd: {  	[tilespmem:v53+s19+$0x0] =	vst.idx.msk $0xffff, v49  }
0x1fe: {  	[tilespmem:v11+s19+$0x0] =	vst.idx.msk $0xffff, v17  }
0x1ff: {  	v53 =	vadd.s32 v28, v37;
	[tilespmem:v16+s19+$0x0] =	vst.idx.msk $0xffff, v62;
	v7 =	vld [tilespmem:s24+$0x190]  }
0x200: {  	[tilespmem:v55+s19+$0x0] =	vst.idx.msk $0xffff, v48;
	v57 =	vadd.f32 v12, v33  }
0x201: {  	[tilespmem:v63+s19+$0x0] =	vst.idx.msk $0xffff, v6;
	v3 =	vadd.f32 v15, v33  }
0x202: {  	[tilespmem:v10+s19+$0x0] =	vst.idx.msk $0xffff, v57  }
0x203: {  	[tilespmem:v9+s19+$0x0] =	vst.idx.msk $0xffff, v3;
	v2 =	vadd.f32 v2, v33  }
0x204: {  	[tilespmem:v53+s19+$0x0] =	vst.idx.msk $0xffff, v61;
	v7 =	vadd.f32 v7, v35  }
0x205: {  	v3 =	vld [tilespmem:s24+$0x110];
	[tilespmem:v60+s19+$0x0] =	vst.idx.msk $0xffff, v2  }
0x206: {  	v59 =	vld [tilespmem:s24+$0x90];
	[tilespmem:v56+s19+$0x0] =	vst.idx.msk $0xffff, v7  }
0x207: {  	v49 =	vld [tilespmem:$0x1FFC0]  }
0x208: {  	v2 =	vld [tilespmem:s24+$0xFFFFFE10]  }
0x209: {  	v60 =	vld [tilespmem:s24+$0xFFFFFEA0]  }
0x20a: {  	v62 =	vld [tilespmem:s24+$0x20];
	v3 =	vadd.f32 v3, v35  }
0x20b: {  	v63 =	vadd.f32 v59, v35;
	v7 =	vld [tilespmem:s24+$0x1A0]  }
0x20c: {  	v22 =	vmov v30;
	v30 =	vadd.f32 v13, v33;
	[tilespmem:v58+s19+$0x0] =	vst.idx.msk $0xffff, v3;
	v3 =	vld [tilespmem:s24+$0xFFFFFFA0];
	v29 =	vadd.s32 v49, v40  }
0x20d: {  	[tilespmem:v47+s19+$0x0] =	vst.idx.msk $0xffff, v63;
	v2 =	vadd.f32 v2, v35  }
0x20e: {  	[tilespmem:v5+s19+$0x0] =	vst.idx.msk $0xffff, v30;
	v32 =	vadd.f32 v60, v34  }
0x20f: {  	v8 =	vadd.f32 v62, v34;
	[tilespmem:v54+s19+$0x0] =	vst.idx.msk $0xffff, v2  }
0x210: {  	v6 =	vld [tilespmem:s24+$0xA0];
	[tilespmem:v0+s19+$0x0] =	vst.idx.msk $0xffff, v32;
	v2 =	vadd.f32 v7, v34  }
0x211: {  	v31 =	vld [tilespmem:s24+$0x120];
	v3 =	vadd.f32 v3, v34;
	[tilespmem:v29+s19+$0x0] =	vst.idx.msk $0xffff, v8  }
0x212: {  	v14 =	vld [tilespmem:$0x1FE90];
	[tilespmem:v52+s19+$0x0] =	vst.idx.msk $0xffff, v2  }
0x213: {  	v35 =	vld [tilespmem:s24+$0xFFFFFF20];
	[tilespmem:v46+s19+$0x0] =	vst.idx.msk $0xffff, v3  }
0x214: {  	v52 =	vld [tilespmem:$0x1FE20]  }
0x215: {  	v0 =	vld [tilespmem:s24+$0xFFFFFE20]  }
0x216: {  	v5 =	vld [tilespmem:s24+$0xFFFFFEB0];
	v47 =	vadd.f32 v31, v34  }
0x217: {  	v8 =	vld [tilespmem:s24+$0x30];
	v2 =	vadd.f32 v6, v34;
	v37 =	vadd.s32 v14, v44  }
0x218: {  	v48 =	vadd.f32 v35, v34;
	v3 =	vld [tilespmem:s24+$0x1B0];
	[tilespmem:v51+s19+$0x0] =	vst.idx.msk $0xffff, v47  }
0x219: {  	v9 =	vld [tilespmem:$0x1FE80];
	[tilespmem:v50+s19+$0x0] =	vst.idx.msk $0xffff, v2;
	v53 =	vadd.s32 v52, v40  }
0x21a: {  	v0 =	vadd.f32 v0, v34;
	v54 =	vld [tilespmem:s24+$0xFFFFFFB0];
	[tilespmem:v4+s19+$0x0] =	vst.idx.msk $0xffff, v48  }
0x21b: {  	v55 =	vadd.f32 v5, v33;
	v56 =	vld [tilespmem:$0x1FE10]  }
0x21c: {  	v59 =	vld [tilespmem:$0x1FE40];
	v8 =	vadd.f32 v8, v33;
	[tilespmem:v37+s19+$0x0] =	vst.idx.msk $0xffff, v0  }
0x21d: {  	v0 =	vld [tilespmem:$0x1FE30];
	[tilespmem:v38+s19+$0x0] =	vst.idx.msk $0xffff, v55  }
0x21e: {  	v58 =	vld [tilespmem:s24+$0xFFFFFF30];
	[tilespmem:v53+s19+$0x0] =	vst.idx.msk $0xffff, v8  }
0x21f: {  	v9 =	vadd.s32 v9, v45;
	v10 =	vld [tilespmem:$0x1FEA0]  }
0x220: {  	v62 =	vadd.s32 v28, v39;
	v2 =	vld [tilespmem:s24+$0x130]  }
0x221: {  	v57 =	vld [tilespmem:s24+$0xB0];
	v5 =	vadd.s32 v56, v43  }
0x222: {  	v3 =	vadd.f32 v3, v33;
	v13 =	vadd.s32 v59, v41;
	v60 =	vld [tilespmem:s24+$0xFFFFFE30]  }
0x223: {  	v63 =	vadd.f32 v58, v33;
	v0 =	vadd.s32 v0, v42  }
0x224: {  	v61 =	vadd.f32 v54, v33;
	[tilespmem:v9+s19+$0x0] =	vst.idx.msk $0xffff, v3;
	v10 =	vadd.s32 v10, v44  }
0x225: {  	v2 =	vadd.f32 v2, v33;
	[tilespmem:v62+s19+$0x0] =	vst.idx.msk $0xffff, v63  }
0x226: {  	s0 =	sshll.u32 s23, $0x12;
	v3 =	vadd.f32 v57, v33;
	[tilespmem:v5+s19+$0x0] =	vst.idx.msk $0xffff, v61  }
0x227: {  	s0 =	sor.u32 s7, s0;
	[tilespmem:v13+s19+$0x0] =	vst.idx.msk $0xffff, v2;
	v2 =	vadd.f32 v60, v33  }
0x228: {  	s0 =	sshrl.u32 s0, $0x3;
	[tilespmem:v0+s19+$0x0] =	vst.idx.msk $0xffff, v3  }
0x229: {  	s2 =	simm.s32 $0x13800;
	s0 =	sadd.s32 s3, s0;
	[tilespmem:v10+s19+$0x0] =	vst.idx.msk $0xffff, v2  }
0x22a: {  	[hbm4b:s0+s4] =	stream.linear.scatter [tilespmem:s2], [sflag:$0x4], $0x80, $0x38;
	[tilespmem:$0x15A00] =	vst v63  }
0x22b: {  	s25 =	sadd.s32 $0x10, s0;
	s24 =	simm.s32 $0x13888  }
0x22c: {  	[hbm4b:s25+s4] =	stream.linear.scatter [tilespmem:s24], [sflag:$0x4], $0x80, $0x38;
	[tilespmem:$0x15A00] =	vst v63  }
0x22d: {  	s26 =	simm.s32 $0x13910;
	s30 =	simm.s32 $0x13998;
	s29 =	sadd.s32 $0x20, s0  }
0x22e: {  	[hbm4b:s29+s4] =	stream.linear.scatter [tilespmem:s26], [sflag:$0x4], $0x80, $0x38;
	[tilespmem:$0x15A00] =	vst v63  }
0x22f: {  	s23 =	simm.s32 $0x440;
	s31 =	sadd.s32 $0x30, s0;
	s28 =	sadd.s32 $0x70, s0  }
0x230: {  	[hbm4b:s31+s4] =	stream.linear.scatter [tilespmem:s30], [sflag:$0x4], $0x80, $0x38;
	[tilespmem:$0x15A00] =	vst v63  }
0x231: {  	s24 =	simm.s32 $0x13A20;
	s25 =	sadd.s32 $0x40, s0;
	s26 =	simm.s32 $0x13AA8  }
0x232: {  	[hbm4b:s25+s4] =	stream.linear.scatter [tilespmem:s24], [sflag:$0x4], $0x80, $0x38;
	[tilespmem:$0x15A00] =	vst v63  }
0x233: {  	s29 =	sadd.s32 $0x50, s0;
	s30 =	simm.s32 $0x13B30;
	s31 =	sadd.s32 $0x60, s0  }
0x234: {  	[hbm4b:s29+s4] =	stream.linear.scatter [tilespmem:s26], [sflag:$0x4], $0x80, $0x38;
	[tilespmem:$0x15A00] =	vst v63  }
0x235: {  	s25 =	simm.s32 $0x2200;
	s24 =	sadd.s32 $0x1000, s0;
	s26 =	simm.s32 $0x13BB8  }
0x236: {  	v40 =	vmov v14;
	[hbm4b:s31+s4] =	stream.linear.scatter [tilespmem:s30], [sflag:$0x4], $0x80, $0x38;
	[tilespmem:$0x15A00] =	vst v63  }
.LBB2_13:
0x237: {  	[hbm4b:s28+s4] =	stream.linear.scatter [tilespmem:s26], [sflag:$0x4], $0x80, $0x38;
	[tilespmem:$0x15A00] =	vst v63  }
0x238: {  	s0 =	smov.u32 s23;
	s2 =	smov.u32 s25  }
0x239: {  	s23 =	sshra.s32 s2, $0x2;
	s2 =	sadd.s32 $0x1100, s25;
	s26 =	sadd.s32 $0x13800, s0  }
0x23a: {  	[hbm4b:s24+s4] =	stream.linear.scatter [tilespmem:s26], [sflag:$0x4], $0x80, $0x38;
	[tilespmem:$0x15A00] =	vst v63  }
0x23b: {  	p0 =	sne.s32 s25, $0x7700;
	s25 =	sadd.s32 $0x13888, s0;
	s26 =	sadd.s32 $0x10, s24  }
0x23c: {  	[hbm4b:s26+s4] =	stream.linear.scatter [tilespmem:s25], [sflag:$0x4], $0x80, $0x38;
	[tilespmem:$0x15A00] =	vst v63  }
0x23d: {  	s25 =	sadd.s32 $0x13910, s0;
	s26 =	sadd.s32 $0x20, s24  }
0x23e: {  	[hbm4b:s26+s4] =	stream.linear.scatter [tilespmem:s25], [sflag:$0x4], $0x80, $0x38;
	[tilespmem:$0x15A00] =	vst v63  }
0x23f: {  	s25 =	sadd.s32 $0x13998, s0;
	s26 =	sadd.s32 $0x30, s24  }
0x240: {  	[hbm4b:s26+s4] =	stream.linear.scatter [tilespmem:s25], [sflag:$0x4], $0x80, $0x38;
	[tilespmem:$0x15A00] =	vst v63  }
0x241: {  	s25 =	sadd.s32 $0x13A20, s0;
	s26 =	sadd.s32 $0x40, s24  }
0x242: {  	[hbm4b:s26+s4] =	stream.linear.scatter [tilespmem:s25], [sflag:$0x4], $0x80, $0x38;
	[tilespmem:$0x15A00] =	vst v63  }
.Ltmp6:
0x243: {  	s25 =	sadd.s32 $0x13AA8, s0;
	s26 =	sadd.s32 $0x50, s24;
	(pc) =	sbr.rel @p0 .LBB2_13-.Ltmp6, $4  }
0x244: {  	[hbm4b:s26+s4] =	stream.linear.scatter [tilespmem:s25], [sflag:$0x4], $0x80, $0x38;
	[tilespmem:$0x15A00] =	vst v63  }
0x245: {  	s28 =	sadd.s32 $0x70, s24;
	s25 =	sadd.s32 $0x13B30, s0;
	s26 =	sadd.s32 $0x60, s24  }
0x246: {  	[hbm4b:s26+s4] =	stream.linear.scatter [tilespmem:s25], [sflag:$0x4], $0x80, $0x38;
	[tilespmem:$0x15A00] =	vst v63  }
0x247: {  	s24 =	sadd.s32 $0x1000, s24;
	s26 =	sadd.s32 $0x13BB8, s0;
	s25 =	smov.u32 s2  }
0x248: {  	[hbm4b:s28+s4] =	stream.linear.scatter [tilespmem:s26], [sflag:$0x4], $0x80, $0x38;
	[tilespmem:$0x15A00] =	vst v63  }
0x249: {  	s0 =	sadd.s32 $0x13800, s23  }
0x24a: {  	[hbm4b:s24+s4] =	stream.linear.scatter [tilespmem:s0], [sflag:$0x4], $0x80, $0x38;
	[tilespmem:$0x15A00] =	vst v63  }
0x24b: {  	s31 =	sadd.s32 $0x13888, s23;
	s2 =	sadd.s32 $0x10, s24  }
0x24c: {  	[hbm4b:s2+s4] =	stream.linear.scatter [tilespmem:s31], [sflag:$0x4], $0x80, $0x38;
	[tilespmem:$0x15A00] =	vst v63  }
0x24d: {  	s25 =	sadd.s32 $0x13910, s23;
	s26 =	sadd.s32 $0x20, s24;
	v23 =	vld [tilespmem:$0x1FF00]  }
0x24e: {  	v24 =	vld [tilespmem:$0x1FF20];
	[hbm4b:s26+s4] =	stream.linear.scatter [tilespmem:s25], [sflag:$0x4], $0x80, $0x38  }
0x24f: {  	s28 =	sadd.s32 $0x13998, s23;
	s29 =	sadd.s32 $0x30, s24;
	v25 =	vmov v26;
	v26 =	vmov v19;
	v19 =	vld [tilespmem:$0x1FEC0]  }
0x250: {  	v27 =	vmov v18;
	v18 =	vld [tilespmem:$0x1FED0];
	[hbm4b:s29+s4] =	stream.linear.scatter [tilespmem:s28], [sflag:$0x4], $0x80, $0x38  }
0x251: {  	s30 =	sadd.s32 $0x13A20, s23;
	s22 =	sadd.s32 $0x1, s22;
	v60 =	vmov v20;
	v20 =	vld [tilespmem:$0x1FEE0];
	s31 =	sadd.s32 $0x40, s24  }
0x252: {  	v61 =	vmov v21;
	v21 =	vld [tilespmem:$0x1FEF0];
	[hbm4b:s31+s4] =	stream.linear.scatter [tilespmem:s30], [sflag:$0x4], $0x80, $0x38  }
0x253: {  	v57 =	vld [tilespmem:$0x1FF10];
	p0 =	sne.s32 s22, $0x64;
	s25 =	sadd.s32 $0x13AA8, s23;
	s26 =	sadd.s32 $0x50, s24  }
0x254: {  	v30 =	vld [tilespmem:$0x1FF30];
	[hbm4b:s26+s4] =	stream.linear.scatter [tilespmem:s25], [sflag:$0x4], $0x80, $0x38  }
.Ltmp7:
0x255: {  	v29 =	vld [tilespmem:$0x1FF40];
	(pc) =	sbr.rel @p0 .LBB2_2-.Ltmp7, $4  }
0x256: {  	v31 =	vld [tilespmem:$0x1FF50];
	s28 =	sadd.s32 $0x13B30, s23;
	s29 =	sadd.s32 $0x60, s24  }
0x257: {  	v32 =	vld [tilespmem:$0x1FF60];
	[hbm4b:s29+s4] =	stream.linear.scatter [tilespmem:s28], [sflag:$0x4], $0x80, $0x38  }
0x258: {  	v50 =	vld [tilespmem:$0x1FF70];
	s30 =	sadd.s32 $0x13BB8, s23;
	s31 =	sadd.s32 $0x70, s24  }
0x259: {  	v51 =	vld [tilespmem:$0x1FF80];
	v28 =	vmov v36;
	[hbm4b:s31+s4] =	stream.linear.scatter [tilespmem:s30], [sflag:$0x4], $0x80, $0x38  }
0x25a: {  	s21 =	sadd.s32 $0x1, s21  }
0x25b: {  	_ =	swait.ge [sflag:s20], $0x2000;
	p0 =	sne.s32 s21, s8  }
.Ltmp8:
0x25c: {  	[sflag:s20] =	ssyncset.done $0x0;
	(pc) =	sbr.rel @p0 .LBB2_1-.Ltmp8, $4  }
0x25d: {  	[sflag:s20] =	ssyncadd.s32 $0xFFFFE000  }
0x25e: {  	_ =	swait.ge [sflag:s18], $0x2000  }
0x25f: {  	[sflag:s18] =	ssyncset.done $0x0  }
0x260: {  	[sflag:s18] =	ssyncadd.s32 $0xFFFFE000  }
0x261: {  	_ =	sfence.sel $0x180000  }
0x262: {  	[bflag:$0x0] =	sbarrier.arrive $0xFFFF  }
0x263: {  	_ =	strace $0x90000047  }
0x264: {  	s0 =	stileid.u32;
	[bflag:$0x2] =	sbarrier.arrive $0xFFFF  }
0x265: {  	p0 =	sne.s32 s0, $0x0;
	s0 =	rddreg [dreg:$0x3]  }
0x266: {  	s0 =	sadd.s32 @!p0 $0x100000, s0  }
0x267: {  	[sflag:s0] =	ssyncadd.tile.s32 @!p0 $0x1;
	_ =	shalt  }
.Lfunc_end2:
_tile_overlayer_lowered:
.L_overlay_start_2:
0x268: {  	(tag) =	ssettag $0x2  }
0x269: {  	s0 =	rddreg [dreg:$0x0];
	s2 =	stileid.u32  }
0x26a: {  	s1 =	rddreg [dreg:$0x1];
	p0 =	sne.s32 s2, $0x0  }
0x26b: {  	s3 =	rddreg [dreg:$0x2];
	[bflag:$0x3] =	sbarrier.arrive $0xFFFF;
	s2 =	simm.s32 @!p0 $0x1C05  }
0x26c: {  	[timem:s3], [sflag:s2] =	dma.local @!p0 [hbm:s0], s1  }
0x26d: {  	s0 =	simm.s32 @!p0 $0x5  }
0x26e: {  	_ =	swait.ge @!p0 [sflag:s0], s1  }
0x26f: {  	s1 =	ssub.s32 @!p0 $0x0, s1;
	[sflag:s0] =	ssyncset.done @!p0 $0x0  }
0x270: {  	[sflag:s0] =	ssyncadd.s32 @!p0 s1  }
0x271: {  	[bflag:$0x3] =	sbarrier.arrive $0xFFFF  }
0x272: {  	_ =	shalt  }

</sc_bundles>
